<compile_context>
chip_gen: v7x
topology: tpu7x:2x2x1
jax: 0.10.2.dev20260603
libtpu: 0.0.44.dev20260713+nightly
codegen_flags: <defaults>
</compile_context>

<pallas_src>
import jax
import jax.numpy as jnp
from jax import lax
from jax.experimental import pallas as pl
from jax.experimental.pallas import tpu as pltpu
from jax.experimental.pallas import tpu_sc as plsc

N = 10000
E = 320000
F = 128
HP = 8
G = 8

NC = 2
NS = 16
NW = NC * NS
EPW = E // NW
K = 128
NCH = 79
EPWP = NCH * K
NP = N + 16
RPT = NP // NS
NBUF = 6
AHEAD = 3

_mesh = plsc.VectorSubcoreMesh(core_axis_name="c", subcore_axis_name="s")


def _make_sc_agg(with_gather: bool):

    def body(edges_hbm, table_hbm, zeros_hbm, out_hbm,
             row_all, col_all, msgs, acc, table_s, sem_g, sem_s):
        cid = lax.axis_index("c")
        sid = lax.axis_index("s")
        wid = cid * NS + sid

        pltpu.sync_copy(zeros_hbm.at[pl.ds(sid * RPT, RPT)],
                        acc.at[pl.ds(sid * RPT, RPT)])
        pltpu.sync_copy(edges_hbm.at[0, wid], row_all)
        pltpu.sync_copy(edges_hbm.at[1, wid], col_all)
        if with_gather:
            pltpu.sync_copy(table_hbm.at[pl.ds(sid * RPT, RPT)],
                            table_s.at[pl.ds(sid * RPT, RPT)])
        else:
            pltpu.sync_copy(table_hbm.at[pl.ds(0, K)], msgs.at[0])
        plsc.subcore_barrier()

        if with_gather:
            for p in range(AHEAD):
                pltpu.async_copy(table_s.at[row_all.at[p]], msgs.at[p],
                                 sem_g)

            def step(j, _):
                buf = lax.rem(j, NBUF)
                pltpu.make_async_copy(table_s.at[row_all.at[j]],
                                      msgs.at[buf], sem_g).wait()
                pltpu.async_copy(msgs.at[buf], acc.at[col_all.at[j]],
                                 sem_s, add=True)

                @pl.when(j >= AHEAD)
                def _():
                    old = lax.rem(j - AHEAD, NBUF)
                    pltpu.make_async_copy(msgs.at[old],
                                          acc.at[col_all.at[j - AHEAD]],
                                          sem_s).wait()

                @pl.when(j + AHEAD < NCH)
                def _():
                    nbuf = lax.rem(j + AHEAD, NBUF)
                    pltpu.async_copy(table_s.at[row_all.at[j + AHEAD]],
                                     msgs.at[nbuf], sem_g)
                return 0

            lax.fori_loop(0, NCH, step, 0)
            for t in range(NCH - AHEAD, NCH):
                pltpu.make_async_copy(msgs.at[t % NBUF],
                                      acc.at[col_all.at[t]], sem_s).wait()
        else:
            def step(j, _):
                pltpu.async_copy(msgs.at[0], acc.at[col_all.at[j]],
                                 sem_s, add=True)

                @pl.when(j >= AHEAD)
                def _():
                    pltpu.make_async_copy(msgs.at[0],
                                          acc.at[col_all.at[j - AHEAD]],
                                          sem_s).wait()
                return 0

            lax.fori_loop(0, NCH, step, 0)
            for t in range(NCH - AHEAD, NCH):
                pltpu.make_async_copy(msgs.at[0], acc.at[col_all.at[t]],
                                      sem_s).wait()

        plsc.subcore_barrier()
        pltpu.sync_copy(acc.at[pl.ds(sid * RPT, RPT)],
                        out_hbm.at[cid, pl.ds(sid * RPT, RPT)])

    return pl.kernel(
        body,
        out_type=jax.ShapeDtypeStruct((NC, NP, HP), jnp.float32),
        mesh=_mesh,
        scratch_types=[
            pltpu.VMEM((NCH, K), jnp.int32),
            pltpu.VMEM((NCH, K), jnp.int32),
            pltpu.VMEM((NBUF, K, HP), jnp.float32),
            pltpu.VMEM_SHARED((NP, HP), jnp.float32),
            pltpu.VMEM_SHARED((NP, HP), jnp.float32),
            pltpu.SemaphoreType.DMA,
            pltpu.SemaphoreType.DMA,
        ],
        compiler_params=pltpu.CompilerParams(use_tc_tiling_on_sc=False),
    )


_sc_agg = _make_sc_agg(True)
_sc_deg = _make_sc_agg(False)

HRPT = RPT // 2


def _sc_agg2z_body(edges_hbm, a1p_hbm, yp_hbm, dvp_hbm, b1v_hbm, zeros_hbm,
                   acc_out, z_out,
                   row_all, col_all, msgs, a0v, a1v, yv, dvv, zv, b1vv,
                   acc, table_s, sem_g, sem_s):
    cid = lax.axis_index("c")
    sid = lax.axis_index("s")
    wid = cid * NS + sid

    pltpu.sync_copy(zeros_hbm.at[pl.ds(sid * RPT, RPT)],
                    acc.at[pl.ds(sid * RPT, RPT)])
    pltpu.sync_copy(edges_hbm.at[0, wid], row_all)
    pltpu.sync_copy(edges_hbm.at[1, wid], col_all)
    pltpu.sync_copy(a1p_hbm.at[0, pl.ds(sid * RPT, RPT)], a0v)
    pltpu.sync_copy(a1p_hbm.at[1, pl.ds(sid * RPT, RPT)], a1v)
    pltpu.sync_copy(yp_hbm.at[pl.ds(sid * RPT, RPT)], yv)
    pltpu.sync_copy(dvp_hbm.at[pl.ds(sid * RPT, RPT)], dvv)
    pltpu.sync_copy(b1v_hbm, b1vv)

    b1vec = b1vv[...]
    lane = lax.iota(jnp.int32, 16)
    cc = jnp.bitwise_and(lane, 7)
    rr0 = lax.shift_right_logical(lane, 3)

    def ew(i, _):
        rr = rr0 + i + i
        a0 = plsc.load_gather(a0v, [rr, cc])
        a1 = plsc.load_gather(a1v, [rr, cc])
        yy = plsc.load_gather(yv, [rr, cc])
        dv = plsc.load_gather(dvv, [rr, cc])
        h = jnp.maximum(dv * (a0 + a1 + yy) + b1vec, 0.0)
        plsc.store_scatter(zv, [rr, cc], dv * h)
        return 0

    lax.fori_loop(0, RPT // 2, ew, 0)

    pltpu.sync_copy(zv, table_s.at[pl.ds(sid * RPT, RPT)])
    pltpu.sync_copy(zv.at[pl.ds(cid * HRPT, HRPT)],
                    z_out.at[pl.ds(sid * RPT + cid * HRPT, HRPT)])
    plsc.subcore_barrier()

    for p in range(AHEAD):
        pltpu.async_copy(table_s.at[row_all.at[p]], msgs.at[p], sem_g)

    def step(j, _):
        buf = lax.rem(j, NBUF)
        pltpu.make_async_copy(table_s.at[row_all.at[j]],
                              msgs.at[buf], sem_g).wait()
        pltpu.async_copy(msgs.at[buf], acc.at[col_all.at[j]],
                         sem_s, add=True)

        @pl.when(j >= AHEAD)
        def _():
            old = lax.rem(j - AHEAD, NBUF)
            pltpu.make_async_copy(msgs.at[old],
                                  acc.at[col_all.at[j - AHEAD]],
                                  sem_s).wait()

        @pl.when(j + AHEAD < NCH)
        def _():
            nbuf = lax.rem(j + AHEAD, NBUF)
            pltpu.async_copy(table_s.at[row_all.at[j + AHEAD]],
                             msgs.at[nbuf], sem_g)
        return 0

    lax.fori_loop(0, NCH, step, 0)
    for t in range(NCH - AHEAD, NCH):
        pltpu.make_async_copy(msgs.at[t % NBUF],
                              acc.at[col_all.at[t]], sem_s).wait()

    plsc.subcore_barrier()
    pltpu.sync_copy(acc.at[pl.ds(sid * RPT, RPT)],
                    acc_out.at[cid, pl.ds(sid * RPT, RPT)])


_sc_agg2z = pl.kernel(
    _sc_agg2z_body,
    out_type=[
        jax.ShapeDtypeStruct((NC, NP, HP), jnp.float32),
        jax.ShapeDtypeStruct((NP, HP), jnp.float32),
    ],
    mesh=_mesh,
    scratch_types=[
        pltpu.VMEM((NCH, K), jnp.int32),
        pltpu.VMEM((NCH, K), jnp.int32),
        pltpu.VMEM((NBUF, K, HP), jnp.float32),
        pltpu.VMEM((RPT, HP), jnp.float32),
        pltpu.VMEM((RPT, HP), jnp.float32),
        pltpu.VMEM((RPT, HP), jnp.float32),
        pltpu.VMEM((RPT, HP), jnp.float32),
        pltpu.VMEM((RPT, HP), jnp.float32),
        pltpu.VMEM((16,), jnp.float32),
        pltpu.VMEM_SHARED((NP, HP), jnp.float32),
        pltpu.VMEM_SHARED((NP, HP), jnp.float32),
        pltpu.SemaphoreType.DMA,
        pltpu.SemaphoreType.DMA,
    ],
    compiler_params=pltpu.CompilerParams(use_tc_tiling_on_sc=False,
                                         needs_layout_passes=False),
)



def _sc_agg1y_body(edges_hbm, degp_hbm, xwp_hbm, zeros_hbm,
                   acc_out, y_out, dv_out,
                   row_all, col_all, msgs, a0v, a1v, yv, zv, dvv2,
                   acc, table_s, sem_g, sem_s):
    cid = lax.axis_index("c")
    sid = lax.axis_index("s")
    wid = cid * NS + sid

    pltpu.sync_copy(zeros_hbm.at[pl.ds(sid * RPT, RPT)],
                    acc.at[pl.ds(sid * RPT, RPT)])
    pltpu.sync_copy(edges_hbm.at[0, wid], row_all)
    pltpu.sync_copy(edges_hbm.at[1, wid], col_all)
    pltpu.sync_copy(degp_hbm.at[0, pl.ds(sid * RPT, RPT)], a0v)
    pltpu.sync_copy(degp_hbm.at[1, pl.ds(sid * RPT, RPT)], a1v)
    pltpu.sync_copy(xwp_hbm.at[pl.ds(sid * RPT, RPT)], yv)

    lane = lax.iota(jnp.int32, 16)
    cc = jnp.bitwise_and(lane, 7)
    rr0 = lax.shift_right_logical(lane, 3)

    def ew(i, _):
        rr = rr0 + i + i
        d0 = plsc.load_gather(a0v, [rr, cc])
        d1 = plsc.load_gather(a1v, [rr, cc])
        xw = plsc.load_gather(yv, [rr, cc])
        x = d0 + d1 + 1.0
        ib = plsc.bitcast(x, jnp.int32)
        seed = 0x5F3759DF - lax.shift_right_logical(ib, 1)
        r = plsc.bitcast(seed, jnp.float32)
        half = 0.5 * x
        r = r * (1.5 - half * r * r)
        r = r * (1.5 - half * r * r)
        r = r * (1.5 - half * r * r)
        r = r * (1.5 - half * r * r)
        plsc.store_scatter(dvv2, [rr, cc], r)
        plsc.store_scatter(zv, [rr, cc], r * xw)
        return 0

    lax.fori_loop(0, RPT // 2, ew, 0)

    pltpu.sync_copy(zv, table_s.at[pl.ds(sid * RPT, RPT)])
    pltpu.sync_copy(zv.at[pl.ds(cid * HRPT, HRPT)],
                    y_out.at[pl.ds(sid * RPT + cid * HRPT, HRPT)])
    pltpu.sync_copy(dvv2.at[pl.ds(cid * HRPT, HRPT)],
                    dv_out.at[pl.ds(sid * RPT + cid * HRPT, HRPT)])
    plsc.subcore_barrier()

    for p in range(AHEAD):
        pltpu.async_copy(table_s.at[row_all.at[p]], msgs.at[p], sem_g)

    def step(j, _):
        buf = lax.rem(j, NBUF)
        pltpu.make_async_copy(table_s.at[row_all.at[j]],
                              msgs.at[buf], sem_g).wait()
        pltpu.async_copy(msgs.at[buf], acc.at[col_all.at[j]],
                         sem_s, add=True)

        @pl.when(j >= AHEAD)
        def _():
            old = lax.rem(j - AHEAD, NBUF)
            pltpu.make_async_copy(msgs.at[old],
                                  acc.at[col_all.at[j - AHEAD]],
                                  sem_s).wait()

        @pl.when(j + AHEAD < NCH)
        def _():
            nbuf = lax.rem(j + AHEAD, NBUF)
            pltpu.async_copy(table_s.at[row_all.at[j + AHEAD]],
                             msgs.at[nbuf], sem_g)
        return 0

    lax.fori_loop(0, NCH, step, 0)
    for t in range(NCH - AHEAD, NCH):
        pltpu.make_async_copy(msgs.at[t % NBUF],
                              acc.at[col_all.at[t]], sem_s).wait()

    plsc.subcore_barrier()
    pltpu.sync_copy(acc.at[pl.ds(sid * RPT, RPT)],
                    acc_out.at[cid, pl.ds(sid * RPT, RPT)])


_sc_agg1y = pl.kernel(
    _sc_agg1y_body,
    out_type=[
        jax.ShapeDtypeStruct((NC, NP, HP), jnp.float32),
        jax.ShapeDtypeStruct((NP, HP), jnp.float32),
        jax.ShapeDtypeStruct((NP, HP), jnp.float32),
    ],
    mesh=_mesh,
    scratch_types=[
        pltpu.VMEM((NCH, K), jnp.int32),
        pltpu.VMEM((NCH, K), jnp.int32),
        pltpu.VMEM((NBUF, K, HP), jnp.float32),
        pltpu.VMEM((RPT, HP), jnp.float32),
        pltpu.VMEM((RPT, HP), jnp.float32),
        pltpu.VMEM((RPT, HP), jnp.float32),
        pltpu.VMEM((RPT, HP), jnp.float32),
        pltpu.VMEM((RPT, HP), jnp.float32),
        pltpu.VMEM_SHARED((NP, HP), jnp.float32),
        pltpu.VMEM_SHARED((NP, HP), jnp.float32),
        pltpu.SemaphoreType.DMA,
        pltpu.SemaphoreType.DMA,
    ],
    compiler_params=pltpu.CompilerParams(use_tc_tiling_on_sc=False,
                                         needs_layout_passes=False),
)


_RB = 1000


def _tc_b_body(x_ref, w_ref, y_ref):
    y_ref[...] = jnp.dot(x_ref[...], w_ref[...],
                         preferred_element_type=jnp.float32)


def _tc_b(x, w1p):
    return pl.pallas_call(
        _tc_b_body,
        grid=(N // _RB,),
        in_specs=[
            pl.BlockSpec((_RB, F), lambda i: (i, 0)),
            pl.BlockSpec((F, HP), lambda i: (0, 0)),
        ],
        out_specs=pl.BlockSpec((_RB, HP), lambda i: (i, 0)),
        out_shape=jax.ShapeDtypeStruct((N, HP), jnp.float32),
    )(x, w1p)


def _tc_d_body(a_ref, y_ref, dinv_ref, b1_ref, z_ref):
    dinv8 = dinv_ref[...]
    agg = a_ref[0] + a_ref[1] + y_ref[...]
    h = jnp.maximum(dinv8 * agg + b1_ref[...], 0.0)
    z_ref[...] = dinv8 * h


def _tc_d(acc1, y, dinv8, b1p):
    return pl.pallas_call(
        _tc_d_body,
        grid=(N // _RB,),
        in_specs=[
            pl.BlockSpec((NC, _RB, HP), lambda i: (0, i, 0)),
            pl.BlockSpec((_RB, HP), lambda i: (i, 0)),
            pl.BlockSpec((_RB, HP), lambda i: (i, 0)),
            pl.BlockSpec((1, HP), lambda i: (0, 0)),
        ],
        out_specs=pl.BlockSpec((_RB, HP), lambda i: (i, 0)),
        out_shape=jax.ShapeDtypeStruct((N, HP), jnp.float32),
    )(acc1, y, dinv8, b1p)


def _tc_f_body(a_ref, z_ref, dinv_ref, batch_ref, w2_ref, b2_ref, out_ref):
    q = dinv_ref[...] * (a_ref[0] + a_ref[1] + z_ref[...])
    gids = lax.broadcasted_iota(jnp.int32, (G, N), 0)
    onehot = (batch_ref[...] == gids).astype(jnp.float32)
    s = jnp.dot(onehot, q, preferred_element_type=jnp.float32)
    cnt = jnp.sum(onehot, axis=1, keepdims=True)
    pooled = s / jnp.maximum(cnt, 1.0)
    logits = jnp.dot(pooled[:, :6], w2_ref[...],
                     preferred_element_type=jnp.float32) + b2_ref[...]
    logits = jnp.where(cnt > 0.0, logits, 0.0)
    m = jnp.max(logits, axis=1, keepdims=True)
    e = logits - m
    out_ref[...] = e - jnp.log(jnp.sum(jnp.exp(e), axis=1, keepdims=True))


def _tc_f(acc2, z, dinv8, batch2d, w2, b2r):
    return pl.pallas_call(
        _tc_f_body,
        grid=(1,),
        in_specs=[
            pl.BlockSpec((NC, N, HP), lambda i: (0, 0, 0)),
            pl.BlockSpec((N, HP), lambda i: (0, 0)),
            pl.BlockSpec((N, HP), lambda i: (0, 0)),
            pl.BlockSpec((1, N), lambda i: (0, 0)),
            pl.BlockSpec((6, 10), lambda i: (0, 0)),
            pl.BlockSpec((1, 10), lambda i: (0, 0)),
        ],
        out_specs=pl.BlockSpec((G, 10), lambda i: (0, 0)),
        out_shape=jax.ShapeDtypeStruct((G, 10), jnp.float32),
    )(acc2, z, dinv8, batch2d, w2, b2r)


_PAD16 = 16


def kernel(x, edge_index, batch, W1, b1, W2, b2):
    e3 = edge_index.reshape(2, NW, EPW)
    e3 = jnp.pad(e3, ((0, 0), (0, 0), (0, EPWP - EPW)), constant_values=N)
    edges_r = e3.reshape(2, NW, NCH, K)

    zeros8 = jnp.zeros((NP, HP), jnp.float32)
    ones_k = jnp.ones((K, HP), jnp.float32)
    zpad = jnp.zeros((_PAD16, HP), jnp.float32)

    w1p = jnp.zeros((F, HP), jnp.float32).at[:, :6].set(W1)
    b1p = jnp.zeros((1, HP), jnp.float32).at[0, :6].set(b1)
    batch2d = batch.reshape(1, N)
    b2r = b2.reshape(1, 10)

    b1v16 = jnp.concatenate([b1p[0], b1p[0]])

    xw = _tc_b(x, w1p)
    degp = _sc_deg(edges_r, ones_k, zeros8)
    xwp = jnp.concatenate([xw, zpad], axis=0)
    acc1, yp, dvp = _sc_agg1y(edges_r, degp, xwp, zeros8)
    acc2, zp = _sc_agg2z(edges_r, acc1, yp, dvp, b1v16, zeros8)
    return _tc_f(acc2, zp, dvp, batch2d, W2, b2r)

# --- scband reference (transcript-rebuilt; emitter-appended) ---
"""Pipeline reference for scband-gcn-model-87737591923138 (READ-ONLY COPY).

The authoritative reference and input builder live on the scoring server;
editing this copy changes nothing except your own understanding.
"""

import jax, jax.numpy as jnp
import numpy as np

N = 10000
E = 320000
F = 128
H = 6  # hiddenSize
C = 10  # num_classes
G = 8   # num graphs in batch


def gcn_conv(x, edge_index, W, b, num_nodes):
    # PyG GCNConv: linear transform, add self-loops, symmetric normalization, scatter-add aggregate, add bias
    x = x @ W
    loops = jnp.arange(num_nodes, dtype=edge_index.dtype)
    row = jnp.concatenate([edge_index[0], loops])  # src
    col = jnp.concatenate([edge_index[1], loops])  # dst
    ones = jnp.ones(row.shape[0], dtype=x.dtype)
    deg = jax.ops.segment_sum(ones, col, num_segments=num_nodes)
    deg_inv_sqrt = jnp.where(deg > 0, jax.lax.rsqrt(jnp.maximum(deg, 1e-12)), 0.0)
    norm = deg_inv_sqrt[row] * deg_inv_sqrt[col]
    msg = x[row] * norm[:, None]
    out = jax.ops.segment_sum(msg, col, num_segments=num_nodes)
    return out + b


def setup_inputs(seed: int = 0) -> dict:
    key = jax.random.key(seed)
    k0, k1, k2, k3, k4 = jax.random.split(key, 5)
    x = jax.random.normal(k0, (N, F), dtype=jnp.float32)
    edge_index = jax.random.randint(k1, (2, E), 0, N, dtype=jnp.int32)
    batch = jnp.sort(jax.random.randint(k2, (N,), 0, G, dtype=jnp.int32))
    # learned parameters (GCNConv: weight [in, out], bias [out])
    W1 = jax.random.normal(k3, (F, H), dtype=jnp.float32) * (1.0 / np.sqrt(F))
    b1 = jnp.zeros((H,), dtype=jnp.float32)
    W2 = jax.random.normal(k4, (H, C), dtype=jnp.float32) * (1.0 / np.sqrt(H))
    b2 = jnp.zeros((C,), dtype=jnp.float32)
    return {"x": x, "edge_index": edge_index, "batch": batch, "W1": W1, "b1": b1, "W2": W2, "b2": b2}


def reference(x, edge_index, batch, W1, b1, W2, b2):
    num_nodes = x.shape[0]
    h = gcn_conv(x, edge_index, W1, b1, num_nodes)
    h = jax.nn.relu(h)
    # dropout is identity in eval mode
    h = gcn_conv(h, edge_index, W2, b2, num_nodes)
    # global mean pool over batch segments
    seg_sum = jax.ops.segment_sum(h, batch, num_segments=G)
    cnt = jax.ops.segment_sum(jnp.ones((num_nodes,), dtype=h.dtype), batch, num_segments=G)
    pooled = seg_sum / jnp.maximum(cnt, 1.0)[:, None]
    return jax.nn.log_softmax(pooled, axis=1)

if __name__ == "__main__":
    import jax
    _d = setup_inputs()
    print(jax.jit(kernel)(*tuple(_d.values())))

</pallas_src>

<mosaic_0001>
#map = affine_map<(d0, d1) -> (0, 0, 0, 0)>
#map1 = affine_map<(d0, d1) -> (0, 0, 0)>
#map2 = affine_map<(d0, d1) -> (0, 0)>
#map3 = affine_map<(d0, d1) -> (0)>
module attributes {stable_mosaic.version = 14 : i64} {
  func.func @_sc_agg2z_body(%arg0: i32, %arg1: i32, %arg2: memref<2x32x79x128xi32, #tpu.memory_space<hbm>>, %arg3: memref<2x10016x8xf32, #tpu.memory_space<hbm>>, %arg4: memref<10016x8xf32, #tpu.memory_space<hbm>>, %arg5: memref<10016x8xf32, #tpu.memory_space<hbm>>, %arg6: memref<16xf32, #tpu.memory_space<hbm>>, %arg7: memref<10016x8xf32, #tpu.memory_space<hbm>>, %arg8: memref<2x10016x8xf32, #tpu.memory_space<hbm>>, %arg9: memref<10016x8xf32, #tpu.memory_space<hbm>>, %arg10: memref<79x128xi32, #tpu.memory_space<vmem>>, %arg11: memref<79x128xi32, #tpu.memory_space<vmem>>, %arg12: memref<6x128x8xf32, #tpu.memory_space<vmem>>, %arg13: memref<626x8xf32, #tpu.memory_space<vmem>>, %arg14: memref<626x8xf32, #tpu.memory_space<vmem>>, %arg15: memref<626x8xf32, #tpu.memory_space<vmem>>, %arg16: memref<626x8xf32, #tpu.memory_space<vmem>>, %arg17: memref<626x8xf32, #tpu.memory_space<vmem>>, %arg18: memref<16xf32, #tpu.memory_space<vmem>>, %arg19: memref<10016x8xf32, #tpu.memory_space<vmem_shared>>, %arg20: memref<10016x8xf32, #tpu.memory_space<vmem_shared>>, %arg21: memref<!tpu.dma_semaphore, #tpu.memory_space<semaphore_mem>>, %arg22: memref<!tpu.dma_semaphore, #tpu.memory_space<semaphore_mem>>) attributes {dimension_semantics = [#tpu.dimension_semantics<core_parallel>, #tpu.dimension_semantics<subcore_parallel>], iteration_bounds = array<i64: 2, 16>, scalar_prefetch = 0 : i64, scratch_operands = 13 : i64, tpu.core_type = #tpu.core_type<sc_vector_subcore>, window_params = [{transform_indices = #map}, {transform_indices = #map1}, {transform_indices = #map2}, {transform_indices = #map2}, {transform_indices = #map3}, {transform_indices = #map2}, {transform_indices = #map1}, {transform_indices = #map2}]} {
    %mul3A = arith.constant 16 : i32
    %mul3A_0 = arith.muli %arg0, %mul3A : i32
    %add3A = arith.addi %mul3A_0, %arg1 : i32
    %mul3A_1 = arith.constant 626 : i32
    %mul3A_2 = arith.muli %arg1, %mul3A_1 : i32
    %mul3A_3 = arith.constant 626 : i32
    %mul3A_4 = arith.muli %arg1, %mul3A_3 : i32
    "tpu.region"() ({
      %run_scoped3A_118 = tpu.sem_alloc : memref<!tpu.dma_semaphore, #tpu.memory_space<semaphore_mem>>
      %dma_start3A_119 = arith.constant 0 : i32
      %dma_start3A_120 = tpu.memref_slice %arg19[%mul3A_4, %dma_start3A_119] : memref<10016x8xf32, #tpu.memory_space<vmem_shared>> -> memref<626x8xf32, #tpu.memory_space<vmem_shared>>
      %dma_start3A_121 = arith.constant 0 : i32
      %dma_start3A_122 = tpu.memref_slice %arg7[%mul3A_2, %dma_start3A_121] : memref<10016x8xf32, #tpu.memory_space<hbm>> -> memref<626x8xf32, #tpu.memory_space<hbm>>
      tpu.enqueue_dma source(%dma_start3A_122 : memref<626x8xf32, #tpu.memory_space<hbm>>) target(%dma_start3A_120 : memref<626x8xf32, #tpu.memory_space<vmem_shared>>) target_semaphore(%run_scoped3A_118 : memref<!tpu.dma_semaphore, #tpu.memory_space<semaphore_mem>>)
      %dma_wait3A_123 = arith.constant 0 : i32
      %dma_wait3A_124 = tpu.memref_slice %arg19[%mul3A_4, %dma_wait3A_123] : memref<10016x8xf32, #tpu.memory_space<vmem_shared>> -> memref<626x8xf32, #tpu.memory_space<vmem_shared>>
      %dma_wait3A_125 = arith.constant 0 : i32
      %dma_wait3A_126 = tpu.memref_slice %arg7[%mul3A_2, %dma_wait3A_125] : memref<10016x8xf32, #tpu.memory_space<hbm>> -> memref<626x8xf32, #tpu.memory_space<hbm>>
      tpu.wait_dma2 semaphore(%run_scoped3A_118 : memref<!tpu.dma_semaphore, #tpu.memory_space<semaphore_mem>>) src(%dma_wait3A_126 : memref<626x8xf32, #tpu.memory_space<hbm>>) dst(%dma_wait3A_124 : memref<626x8xf32, #tpu.memory_space<vmem_shared>>)
      tpu.yield
    }) : () -> ()
    %run_scoped3A = arith.constant 0 : i32
    "tpu.region"() ({
      %run_scoped3A_118 = tpu.sem_alloc : memref<!tpu.dma_semaphore, #tpu.memory_space<semaphore_mem>>
      %dma_start3A_119 = arith.constant 0 : i32
      %dma_start3A_120 = arith.constant 0 : i32
      %dma_start3A_121 = tpu.memref_slice %arg2[%run_scoped3A, %add3A, %dma_start3A_119, %dma_start3A_120] : memref<2x32x79x128xi32, #tpu.memory_space<hbm>> -> memref<1x1x79x128xi32, #tpu.memory_space<hbm>>
      %dma_start3A_122 = tpu.memref_squeeze %dma_start3A_121 : memref<1x1x79x128xi32, #tpu.memory_space<hbm>> -> memref<79x128xi32, #tpu.memory_space<hbm>>
      %dma_start3A_123 = arith.constant 0 : i32
      %dma_start3A_124 = arith.constant 0 : i32
      %dma_start3A_125 = tpu.memref_slice %arg2[%run_scoped3A, %add3A, %dma_start3A_123, %dma_start3A_124] : memref<2x32x79x128xi32, #tpu.memory_space<hbm>> -> memref<1x1x79x128xi32, #tpu.memory_space<hbm>>
      %dma_start3A_126 = tpu.memref_squeeze %dma_start3A_125 : memref<1x1x79x128xi32, #tpu.memory_space<hbm>> -> memref<79x128xi32, #tpu.memory_space<hbm>>
      tpu.enqueue_dma source(%dma_start3A_126 : memref<79x128xi32, #tpu.memory_space<hbm>>) target(%arg10 : memref<79x128xi32, #tpu.memory_space<vmem>>) target_semaphore(%run_scoped3A_118 : memref<!tpu.dma_semaphore, #tpu.memory_space<semaphore_mem>>)
      %dma_wait3A_127 = arith.constant 0 : i32
      %dma_wait3A_128 = arith.constant 0 : i32
      %dma_wait3A_129 = tpu.memref_slice %arg2[%run_scoped3A, %add3A, %dma_wait3A_127, %dma_wait3A_128] : memref<2x32x79x128xi32, #tpu.memory_space<hbm>> -> memref<1x1x79x128xi32, #tpu.memory_space<hbm>>
      %dma_wait3A_130 = tpu.memref_squeeze %dma_wait3A_129 : memref<1x1x79x128xi32, #tpu.memory_space<hbm>> -> memref<79x128xi32, #tpu.memory_space<hbm>>
      %dma_wait3A_131 = arith.constant 0 : i32
      %dma_wait3A_132 = arith.constant 0 : i32
      %dma_wait3A_133 = tpu.memref_slice %arg2[%run_scoped3A, %add3A, %dma_wait3A_131, %dma_wait3A_132] : memref<2x32x79x128xi32, #tpu.memory_space<hbm>> -> memref<1x1x79x128xi32, #tpu.memory_space<hbm>>
      %dma_wait3A_134 = tpu.memref_squeeze %dma_wait3A_133 : memref<1x1x79x128xi32, #tpu.memory_space<hbm>> -> memref<79x128xi32, #tpu.memory_space<hbm>>
      tpu.wait_dma2 semaphore(%run_scoped3A_118 : memref<!tpu.dma_semaphore, #tpu.memory_space<semaphore_mem>>) src(%dma_wait3A_134 : memref<79x128xi32, #tpu.memory_space<hbm>>) dst(%arg10 : memref<79x128xi32, #tpu.memory_space<vmem>>)
      tpu.yield
    }) : () -> ()
    %run_scoped3A_5 = arith.constant 1 : i32
    "tpu.region"() ({
      %run_scoped3A_118 = tpu.sem_alloc : memref<!tpu.dma_semaphore, #tpu.memory_space<semaphore_mem>>
      %dma_start3A_119 = arith.constant 0 : i32
      %dma_start3A_120 = arith.constant 0 : i32
      %dma_start3A_121 = tpu.memref_slice %arg2[%run_scoped3A_5, %add3A, %dma_start3A_119, %dma_start3A_120] : memref<2x32x79x128xi32, #tpu.memory_space<hbm>> -> memref<1x1x79x128xi32, #tpu.memory_space<hbm>>
      %dma_start3A_122 = tpu.memref_squeeze %dma_start3A_121 : memref<1x1x79x128xi32, #tpu.memory_space<hbm>> -> memref<79x128xi32, #tpu.memory_space<hbm>>
      %dma_start3A_123 = arith.constant 0 : i32
      %dma_start3A_124 = arith.constant 0 : i32
      %dma_start3A_125 = tpu.memref_slice %arg2[%run_scoped3A_5, %add3A, %dma_start3A_123, %dma_start3A_124] : memref<2x32x79x128xi32, #tpu.memory_space<hbm>> -> memref<1x1x79x128xi32, #tpu.memory_space<hbm>>
      %dma_start3A_126 = tpu.memref_squeeze %dma_start3A_125 : memref<1x1x79x128xi32, #tpu.memory_space<hbm>> -> memref<79x128xi32, #tpu.memory_space<hbm>>
      tpu.enqueue_dma source(%dma_start3A_126 : memref<79x128xi32, #tpu.memory_space<hbm>>) target(%arg11 : memref<79x128xi32, #tpu.memory_space<vmem>>) target_semaphore(%run_scoped3A_118 : memref<!tpu.dma_semaphore, #tpu.memory_space<semaphore_mem>>)
      %dma_wait3A_127 = arith.constant 0 : i32
      %dma_wait3A_128 = arith.constant 0 : i32
      %dma_wait3A_129 = tpu.memref_slice %arg2[%run_scoped3A_5, %add3A, %dma_wait3A_127, %dma_wait3A_128] : memref<2x32x79x128xi32, #tpu.memory_space<hbm>> -> memref<1x1x79x128xi32, #tpu.memory_space<hbm>>
      %dma_wait3A_130 = tpu.memref_squeeze %dma_wait3A_129 : memref<1x1x79x128xi32, #tpu.memory_space<hbm>> -> memref<79x128xi32, #tpu.memory_space<hbm>>
      %dma_wait3A_131 = arith.constant 0 : i32
      %dma_wait3A_132 = arith.constant 0 : i32
      %dma_wait3A_133 = tpu.memref_slice %arg2[%run_scoped3A_5, %add3A, %dma_wait3A_131, %dma_wait3A_132] : memref<2x32x79x128xi32, #tpu.memory_space<hbm>> -> memref<1x1x79x128xi32, #tpu.memory_space<hbm>>
      %dma_wait3A_134 = tpu.memref_squeeze %dma_wait3A_133 : memref<1x1x79x128xi32, #tpu.memory_space<hbm>> -> memref<79x128xi32, #tpu.memory_space<hbm>>
      tpu.wait_dma2 semaphore(%run_scoped3A_118 : memref<!tpu.dma_semaphore, #tpu.memory_space<semaphore_mem>>) src(%dma_wait3A_134 : memref<79x128xi32, #tpu.memory_space<hbm>>) dst(%arg11 : memref<79x128xi32, #tpu.memory_space<vmem>>)
      tpu.yield
    }) : () -> ()
    %mul3A_6 = arith.constant 626 : i32
    %mul3A_7 = arith.muli %arg1, %mul3A_6 : i32
    %run_scoped3A_8 = arith.constant 0 : i32
    "tpu.region"() ({
      %run_scoped3A_118 = tpu.sem_alloc : memref<!tpu.dma_semaphore, #tpu.memory_space<semaphore_mem>>
      %dma_start3A_119 = arith.constant 0 : i32
      %dma_start3A_120 = tpu.memref_slice %arg3[%run_scoped3A_8, %mul3A_7, %dma_start3A_119] : memref<2x10016x8xf32, #tpu.memory_space<hbm>> -> memref<1x626x8xf32, #tpu.memory_space<hbm>>
      %dma_start3A_121 = tpu.memref_squeeze %dma_start3A_120 : memref<1x626x8xf32, #tpu.memory_space<hbm>> -> memref<626x8xf32, #tpu.memory_space<hbm>>
      %dma_start3A_122 = arith.constant 0 : i32
      %dma_start3A_123 = tpu.memref_slice %arg3[%run_scoped3A_8, %mul3A_7, %dma_start3A_122] : memref<2x10016x8xf32, #tpu.memory_space<hbm>> -> memref<1x626x8xf32, #tpu.memory_space<hbm>>
      %dma_start3A_124 = tpu.memref_squeeze %dma_start3A_123 : memref<1x626x8xf32, #tpu.memory_space<hbm>> -> memref<626x8xf32, #tpu.memory_space<hbm>>
      tpu.enqueue_dma source(%dma_start3A_124 : memref<626x8xf32, #tpu.memory_space<hbm>>) target(%arg13 : memref<626x8xf32, #tpu.memory_space<vmem>>) target_semaphore(%run_scoped3A_118 : memref<!tpu.dma_semaphore, #tpu.memory_space<semaphore_mem>>)
      %dma_wait3A_125 = arith.constant 0 : i32
      %dma_wait3A_126 = tpu.memref_slice %arg3[%run_scoped3A_8, %mul3A_7, %dma_wait3A_125] : memref<2x10016x8xf32, #tpu.memory_space<hbm>> -> memref<1x626x8xf32, #tpu.memory_space<hbm>>
      %dma_wait3A_127 = tpu.memref_squeeze %dma_wait3A_126 : memref<1x626x8xf32, #tpu.memory_space<hbm>> -> memref<626x8xf32, #tpu.memory_space<hbm>>
      %dma_wait3A_128 = arith.constant 0 : i32
      %dma_wait3A_129 = tpu.memref_slice %arg3[%run_scoped3A_8, %mul3A_7, %dma_wait3A_128] : memref<2x10016x8xf32, #tpu.memory_space<hbm>> -> memref<1x626x8xf32, #tpu.memory_space<hbm>>
      %dma_wait3A_130 = tpu.memref_squeeze %dma_wait3A_129 : memref<1x626x8xf32, #tpu.memory_space<hbm>> -> memref<626x8xf32, #tpu.memory_space<hbm>>
      tpu.wait_dma2 semaphore(%run_scoped3A_118 : memref<!tpu.dma_semaphore, #tpu.memory_space<semaphore_mem>>) src(%dma_wait3A_130 : memref<626x8xf32, #tpu.memory_space<hbm>>) dst(%arg13 : memref<626x8xf32, #tpu.memory_space<vmem>>)
      tpu.yield
    }) : () -> ()
    %mul3A_9 = arith.constant 626 : i32
    %mul3A_10 = arith.muli %arg1, %mul3A_9 : i32
    %run_scoped3A_11 = arith.constant 1 : i32
    "tpu.region"() ({
      %run_scoped3A_118 = tpu.sem_alloc : memref<!tpu.dma_semaphore, #tpu.memory_space<semaphore_mem>>
      %dma_start3A_119 = arith.constant 0 : i32
      %dma_start3A_120 = tpu.memref_slice %arg3[%run_scoped3A_11, %mul3A_10, %dma_start3A_119] : memref<2x10016x8xf32, #tpu.memory_space<hbm>> -> memref<1x626x8xf32, #tpu.memory_space<hbm>>
      %dma_start3A_121 = tpu.memref_squeeze %dma_start3A_120 : memref<1x626x8xf32, #tpu.memory_space<hbm>> -> memref<626x8xf32, #tpu.memory_space<hbm>>
      %dma_start3A_122 = arith.constant 0 : i32
      %dma_start3A_123 = tpu.memref_slice %arg3[%run_scoped3A_11, %mul3A_10, %dma_start3A_122] : memref<2x10016x8xf32, #tpu.memory_space<hbm>> -> memref<1x626x8xf32, #tpu.memory_space<hbm>>
      %dma_start3A_124 = tpu.memref_squeeze %dma_start3A_123 : memref<1x626x8xf32, #tpu.memory_space<hbm>> -> memref<626x8xf32, #tpu.memory_space<hbm>>
      tpu.enqueue_dma source(%dma_start3A_124 : memref<626x8xf32, #tpu.memory_space<hbm>>) target(%arg14 : memref<626x8xf32, #tpu.memory_space<vmem>>) target_semaphore(%run_scoped3A_118 : memref<!tpu.dma_semaphore, #tpu.memory_space<semaphore_mem>>)
      %dma_wait3A_125 = arith.constant 0 : i32
      %dma_wait3A_126 = tpu.memref_slice %arg3[%run_scoped3A_11, %mul3A_10, %dma_wait3A_125] : memref<2x10016x8xf32, #tpu.memory_space<hbm>> -> memref<1x626x8xf32, #tpu.memory_space<hbm>>
      %dma_wait3A_127 = tpu.memref_squeeze %dma_wait3A_126 : memref<1x626x8xf32, #tpu.memory_space<hbm>> -> memref<626x8xf32, #tpu.memory_space<hbm>>
      %dma_wait3A_128 = arith.constant 0 : i32
      %dma_wait3A_129 = tpu.memref_slice %arg3[%run_scoped3A_11, %mul3A_10, %dma_wait3A_128] : memref<2x10016x8xf32, #tpu.memory_space<hbm>> -> memref<1x626x8xf32, #tpu.memory_space<hbm>>
      %dma_wait3A_130 = tpu.memref_squeeze %dma_wait3A_129 : memref<1x626x8xf32, #tpu.memory_space<hbm>> -> memref<626x8xf32, #tpu.memory_space<hbm>>
      tpu.wait_dma2 semaphore(%run_scoped3A_118 : memref<!tpu.dma_semaphore, #tpu.memory_space<semaphore_mem>>) src(%dma_wait3A_130 : memref<626x8xf32, #tpu.memory_space<hbm>>) dst(%arg14 : memref<626x8xf32, #tpu.memory_space<vmem>>)
      tpu.yield
    }) : () -> ()
    %mul3A_12 = arith.constant 626 : i32
    %mul3A_13 = arith.muli %arg1, %mul3A_12 : i32
    "tpu.region"() ({
      %run_scoped3A_118 = tpu.sem_alloc : memref<!tpu.dma_semaphore, #tpu.memory_space<semaphore_mem>>
      %dma_start3A_119 = arith.constant 0 : i32
      %dma_start3A_120 = tpu.memref_slice %arg4[%mul3A_13, %dma_start3A_119] : memref<10016x8xf32, #tpu.memory_space<hbm>> -> memref<626x8xf32, #tpu.memory_space<hbm>>
      %dma_start3A_121 = arith.constant 0 : i32
      %dma_start3A_122 = tpu.memref_slice %arg4[%mul3A_13, %dma_start3A_121] : memref<10016x8xf32, #tpu.memory_space<hbm>> -> memref<626x8xf32, #tpu.memory_space<hbm>>
      tpu.enqueue_dma source(%dma_start3A_122 : memref<626x8xf32, #tpu.memory_space<hbm>>) target(%arg15 : memref<626x8xf32, #tpu.memory_space<vmem>>) target_semaphore(%run_scoped3A_118 : memref<!tpu.dma_semaphore, #tpu.memory_space<semaphore_mem>>)
      %dma_wait3A_123 = arith.constant 0 : i32
      %dma_wait3A_124 = tpu.memref_slice %arg4[%mul3A_13, %dma_wait3A_123] : memref<10016x8xf32, #tpu.memory_space<hbm>> -> memref<626x8xf32, #tpu.memory_space<hbm>>
      %dma_wait3A_125 = arith.constant 0 : i32
      %dma_wait3A_126 = tpu.memref_slice %arg4[%mul3A_13, %dma_wait3A_125] : memref<10016x8xf32, #tpu.memory_space<hbm>> -> memref<626x8xf32, #tpu.memory_space<hbm>>
      tpu.wait_dma2 semaphore(%run_scoped3A_118 : memref<!tpu.dma_semaphore, #tpu.memory_space<semaphore_mem>>) src(%dma_wait3A_126 : memref<626x8xf32, #tpu.memory_space<hbm>>) dst(%arg15 : memref<626x8xf32, #tpu.memory_space<vmem>>)
      tpu.yield
    }) : () -> ()
    %mul3A_14 = arith.constant 626 : i32
    %mul3A_15 = arith.muli %arg1, %mul3A_14 : i32
    "tpu.region"() ({
      %run_scoped3A_118 = tpu.sem_alloc : memref<!tpu.dma_semaphore, #tpu.memory_space<semaphore_mem>>
      %dma_start3A_119 = arith.constant 0 : i32
      %dma_start3A_120 = tpu.memref_slice %arg5[%mul3A_15, %dma_start3A_119] : memref<10016x8xf32, #tpu.memory_space<hbm>> -> memref<626x8xf32, #tpu.memory_space<hbm>>
      %dma_start3A_121 = arith.constant 0 : i32
      %dma_start3A_122 = tpu.memref_slice %arg5[%mul3A_15, %dma_start3A_121] : memref<10016x8xf32, #tpu.memory_space<hbm>> -> memref<626x8xf32, #tpu.memory_space<hbm>>
      tpu.enqueue_dma source(%dma_start3A_122 : memref<626x8xf32, #tpu.memory_space<hbm>>) target(%arg16 : memref<626x8xf32, #tpu.memory_space<vmem>>) target_semaphore(%run_scoped3A_118 : memref<!tpu.dma_semaphore, #tpu.memory_space<semaphore_mem>>)
      %dma_wait3A_123 = arith.constant 0 : i32
      %dma_wait3A_124 = tpu.memref_slice %arg5[%mul3A_15, %dma_wait3A_123] : memref<10016x8xf32, #tpu.memory_space<hbm>> -> memref<626x8xf32, #tpu.memory_space<hbm>>
      %dma_wait3A_125 = arith.constant 0 : i32
      %dma_wait3A_126 = tpu.memref_slice %arg5[%mul3A_15, %dma_wait3A_125] : memref<10016x8xf32, #tpu.memory_space<hbm>> -> memref<626x8xf32, #tpu.memory_space<hbm>>
      tpu.wait_dma2 semaphore(%run_scoped3A_118 : memref<!tpu.dma_semaphore, #tpu.memory_space<semaphore_mem>>) src(%dma_wait3A_126 : memref<626x8xf32, #tpu.memory_space<hbm>>) dst(%arg16 : memref<626x8xf32, #tpu.memory_space<vmem>>)
      tpu.yield
    }) : () -> ()
    "tpu.region"() ({
      %run_scoped3A_118 = tpu.sem_alloc : memref<!tpu.dma_semaphore, #tpu.memory_space<semaphore_mem>>
      tpu.enqueue_dma source(%arg6 : memref<16xf32, #tpu.memory_space<hbm>>) target(%arg18 : memref<16xf32, #tpu.memory_space<vmem>>) target_semaphore(%run_scoped3A_118 : memref<!tpu.dma_semaphore, #tpu.memory_space<semaphore_mem>>)
      tpu.wait_dma2 semaphore(%run_scoped3A_118 : memref<!tpu.dma_semaphore, #tpu.memory_space<semaphore_mem>>) src(%arg6 : memref<16xf32, #tpu.memory_space<hbm>>) dst(%arg18 : memref<16xf32, #tpu.memory_space<vmem>>)
      tpu.yield
    }) : () -> ()
    %get3A = arith.constant 0 : index
    %get3A_16 = tpu.vector_load %arg18[%get3A] {strides = array<i32>} : memref<16xf32, #tpu.memory_space<vmem>>, vector<16xf32>,
    %iota3A = tpu.iota {dimensions = array<i32: 0>} : vector<16xi32>
    %and3A = arith.constant 7 : i32
    %and3A_17 = vector.broadcast %and3A : i32 to vector<16xi32>
    %and3A_18 = arith.andi %iota3A, %and3A_17 : vector<16xi32>
    %shift_right_logical3A = arith.constant 3 : i32
    %shift_right_logical3A_19 = vector.broadcast %shift_right_logical3A : i32 to vector<16xi32>
    %shift_right_logical3A_20 = arith.shrui %iota3A, %shift_right_logical3A_19 : vector<16xi32>
    %scan3A = arith.constant 0 : i32
    %scan3A_21 = arith.constant 0 : i32
    %scan3A_22 = arith.constant 313 : i32
    %scan3A_23 = arith.addi %scan3A_21, %scan3A_22 : i32
    %scan3A_24 = arith.constant 1 : i32
    %scan3A_25 = scf.for %scan3A_118 = %scan3A_21 to %scan3A_23 step %scan3A_24 iter_args(%scan3A_119 = %scan3A) -> (i32)  : i32 {
      %add3A_120 = vector.broadcast %scan3A_118 : i32 to vector<16xi32>
      %add3A_121 = arith.addi %shift_right_logical3A_20, %add3A_120 : vector<16xi32>
      %add3A_122 = vector.broadcast %scan3A_118 : i32 to vector<16xi32>
      %add3A_123 = arith.addi %add3A_121, %add3A_122 : vector<16xi32>
      %gather3A = tpu.vector_load_idx %arg13[%add3A_123, %and3A_18] : memref<626x8xf32, #tpu.memory_space<vmem>>[vector<16xi32>, vector<16xi32>], vector<16xf32>,
      %gather3A_124 = tpu.vector_load_idx %arg14[%add3A_123, %and3A_18] : memref<626x8xf32, #tpu.memory_space<vmem>>[vector<16xi32>, vector<16xi32>], vector<16xf32>,
      %gather3A_125 = tpu.vector_load_idx %arg15[%add3A_123, %and3A_18] : memref<626x8xf32, #tpu.memory_space<vmem>>[vector<16xi32>, vector<16xi32>], vector<16xf32>,
      %gather3A_126 = tpu.vector_load_idx %arg16[%add3A_123, %and3A_18] : memref<626x8xf32, #tpu.memory_space<vmem>>[vector<16xi32>, vector<16xi32>], vector<16xf32>,
      %add3A_127 = arith.addf %gather3A, %gather3A_124 : vector<16xf32>
      %add3A_128 = arith.addf %add3A_127, %gather3A_125 : vector<16xf32>
      %mul3A_129 = arith.mulf %gather3A_126, %add3A_128 : vector<16xf32>
      %add3A_130 = arith.addf %mul3A_129, %get3A_16 : vector<16xf32>
      %max3A = arith.constant 0.000000e+00 : f32
      %max3A_131 = vector.broadcast %max3A : f32 to vector<16xf32>
      %max3A_132 = arith.maximumf %add3A_130, %max3A_131 : vector<16xf32>
      %mul3A_133 = arith.mulf %gather3A_126, %max3A_132 : vector<16xf32>
      tpu.vector_store_idx %arg17[%add3A_123, %and3A_18], %mul3A_133 : memref<626x8xf32, #tpu.memory_space<vmem>>[vector<16xi32>, vector<16xi32>], vector<16xf32>,
      %scan3A_134 = arith.constant 0 : i32
      scf.yield %scan3A_134 : i32
    }
    %scan3A_26 = arith.constant 313 : i32
    %mul3A_27 = arith.constant 626 : i32
    %mul3A_28 = arith.muli %arg1, %mul3A_27 : i32
    "tpu.region"() ({
      %run_scoped3A_118 = tpu.sem_alloc : memref<!tpu.dma_semaphore, #tpu.memory_space<semaphore_mem>>
      %dma_start3A_119 = arith.constant 0 : i32
      %dma_start3A_120 = tpu.memref_slice %arg20[%mul3A_28, %dma_start3A_119] : memref<10016x8xf32, #tpu.memory_space<vmem_shared>> -> memref<626x8xf32, #tpu.memory_space<vmem_shared>>
      %dma_start3A_121 = arith.constant 0 : i32
      %dma_start3A_122 = tpu.memref_slice %arg20[%mul3A_28, %dma_start3A_121] : memref<10016x8xf32, #tpu.memory_space<vmem_shared>> -> memref<626x8xf32, #tpu.memory_space<vmem_shared>>
      tpu.enqueue_dma source(%arg17 : memref<626x8xf32, #tpu.memory_space<vmem>>) target(%dma_start3A_122 : memref<626x8xf32, #tpu.memory_space<vmem_shared>>) target_semaphore(%run_scoped3A_118 : memref<!tpu.dma_semaphore, #tpu.memory_space<semaphore_mem>>)
      %dma_wait3A_123 = arith.constant 0 : i32
      %dma_wait3A_124 = tpu.memref_slice %arg20[%mul3A_28, %dma_wait3A_123] : memref<10016x8xf32, #tpu.memory_space<vmem_shared>> -> memref<626x8xf32, #tpu.memory_space<vmem_shared>>
      %dma_wait3A_125 = arith.constant 0 : i32
      %dma_wait3A_126 = tpu.memref_slice %arg20[%mul3A_28, %dma_wait3A_125] : memref<10016x8xf32, #tpu.memory_space<vmem_shared>> -> memref<626x8xf32, #tpu.memory_space<vmem_shared>>
      tpu.wait_dma2 semaphore(%run_scoped3A_118 : memref<!tpu.dma_semaphore, #tpu.memory_space<semaphore_mem>>) src(%arg17 : memref<626x8xf32, #tpu.memory_space<vmem>>) dst(%dma_wait3A_126 : memref<626x8xf32, #tpu.memory_space<vmem_shared>>)
      tpu.yield
    }) : () -> ()
    %mul3A_29 = arith.constant 313 : i32
    %mul3A_30 = arith.muli %arg0, %mul3A_29 : i32
    %mul3A_31 = arith.constant 626 : i32
    %mul3A_32 = arith.muli %arg1, %mul3A_31 : i32
    %mul3A_33 = arith.constant 313 : i32
    %mul3A_34 = arith.muli %arg0, %mul3A_33 : i32
    %add3A_35 = arith.addi %mul3A_32, %mul3A_34 : i32
    "tpu.region"() ({
      %run_scoped3A_118 = tpu.sem_alloc : memref<!tpu.dma_semaphore, #tpu.memory_space<semaphore_mem>>
      %dma_start3A_119 = arith.constant 0 : i32
      %dma_start3A_120 = tpu.memref_slice %arg17[%mul3A_30, %dma_start3A_119] : memref<626x8xf32, #tpu.memory_space<vmem>> -> memref<313x8xf32, #tpu.memory_space<vmem>>
      %dma_start3A_121 = arith.constant 0 : i32
      %dma_start3A_122 = tpu.memref_slice %arg9[%add3A_35, %dma_start3A_121] : memref<10016x8xf32, #tpu.memory_space<hbm>> -> memref<313x8xf32, #tpu.memory_space<hbm>>
      %dma_start3A_123 = arith.constant 0 : i32
      %dma_start3A_124 = tpu.memref_slice %arg9[%add3A_35, %dma_start3A_123] : memref<10016x8xf32, #tpu.memory_space<hbm>> -> memref<313x8xf32, #tpu.memory_space<hbm>>
      %dma_start3A_125 = arith.constant 0 : i32
      %dma_start3A_126 = tpu.memref_slice %arg17[%mul3A_30, %dma_start3A_125] : memref<626x8xf32, #tpu.memory_space<vmem>> -> memref<313x8xf32, #tpu.memory_space<vmem>>
      tpu.enqueue_dma source(%dma_start3A_126 : memref<313x8xf32, #tpu.memory_space<vmem>>) target(%dma_start3A_124 : memref<313x8xf32, #tpu.memory_space<hbm>>) target_semaphore(%run_scoped3A_118 : memref<!tpu.dma_semaphore, #tpu.memory_space<semaphore_mem>>)
      %dma_wait3A_127 = arith.constant 0 : i32
      %dma_wait3A_128 = tpu.memref_slice %arg17[%mul3A_30, %dma_wait3A_127] : memref<626x8xf32, #tpu.memory_space<vmem>> -> memref<313x8xf32, #tpu.memory_space<vmem>>
      %dma_wait3A_129 = arith.constant 0 : i32
      %dma_wait3A_130 = tpu.memref_slice %arg9[%add3A_35, %dma_wait3A_129] : memref<10016x8xf32, #tpu.memory_space<hbm>> -> memref<313x8xf32, #tpu.memory_space<hbm>>
      %dma_wait3A_131 = arith.constant 0 : i32
      %dma_wait3A_132 = tpu.memref_slice %arg9[%add3A_35, %dma_wait3A_131] : memref<10016x8xf32, #tpu.memory_space<hbm>> -> memref<313x8xf32, #tpu.memory_space<hbm>>
      %dma_wait3A_133 = arith.constant 0 : i32
      %dma_wait3A_134 = tpu.memref_slice %arg17[%mul3A_30, %dma_wait3A_133] : memref<626x8xf32, #tpu.memory_space<vmem>> -> memref<313x8xf32, #tpu.memory_space<vmem>>
      tpu.wait_dma2 semaphore(%run_scoped3A_118 : memref<!tpu.dma_semaphore, #tpu.memory_space<semaphore_mem>>) src(%dma_wait3A_134 : memref<313x8xf32, #tpu.memory_space<vmem>>) dst(%dma_wait3A_132 : memref<313x8xf32, #tpu.memory_space<hbm>>)
      tpu.yield
    }) : () -> ()
    %barrier3A = arith.constant 0 : index
    tpu.barrier barrier_id(%barrier3A)
    %dma_start3A = arith.constant 0 : i32
    %dma_start3A_36 = arith.constant 0 : i32
    %dma_start3A_37 = arith.constant 0 : i32
    %dma_start3A_38 = arith.constant 0 : i32
    %dma_start3A_39 = tpu.memref_slice %arg12[%dma_start3A_36, %dma_start3A_37, %dma_start3A_38] : memref<6x128x8xf32, #tpu.memory_space<vmem>> -> memref<1x128x8xf32, #tpu.memory_space<vmem>>
    %dma_start3A_40 = tpu.memref_squeeze %dma_start3A_39 : memref<1x128x8xf32, #tpu.memory_space<vmem>> -> memref<128x8xf32, #tpu.memory_space<vmem>>
    %dma_start3A_41 = arith.constant 0 : i32
    %dma_start3A_42 = tpu.memref_slice %arg10[%dma_start3A, %dma_start3A_41] : memref<79x128xi32, #tpu.memory_space<vmem>> -> memref<1x128xi32, #tpu.memory_space<vmem>>
    %dma_start3A_43 = tpu.memref_squeeze %dma_start3A_42 : memref<1x128xi32, #tpu.memory_space<vmem>> -> memref<128xi32, #tpu.memory_space<vmem>>
    %dma_start3A_44 = arith.constant 0 : i32
    %dma_start3A_45 = arith.constant 0 : i32
    %dma_start3A_46 = tpu.memref_slice %arg20[%dma_start3A_44, %dma_start3A_45] : memref<10016x8xf32, #tpu.memory_space<vmem_shared>> -> memref<10016x8xf32, #tpu.memory_space<vmem_shared>>
    tpu.enqueue_indirect_dma source(%dma_start3A_46 : memref<10016x8xf32, #tpu.memory_space<vmem_shared>>) target(%dma_start3A_40 : memref<128x8xf32, #tpu.memory_space<vmem>>) offsets(%dma_start3A_43 : memref<128xi32, #tpu.memory_space<vmem>>) semaphore(%arg21 : memref<!tpu.dma_semaphore, #tpu.memory_space<semaphore_mem>>)
    %dma_start3A_47 = arith.constant 1 : i32
    %dma_start3A_48 = arith.constant 1 : i32
    %dma_start3A_49 = arith.constant 0 : i32
    %dma_start3A_50 = arith.constant 0 : i32
    %dma_start3A_51 = tpu.memref_slice %arg12[%dma_start3A_48, %dma_start3A_49, %dma_start3A_50] : memref<6x128x8xf32, #tpu.memory_space<vmem>> -> memref<1x128x8xf32, #tpu.memory_space<vmem>>
    %dma_start3A_52 = tpu.memref_squeeze %dma_start3A_51 : memref<1x128x8xf32, #tpu.memory_space<vmem>> -> memref<128x8xf32, #tpu.memory_space<vmem>>
    %dma_start3A_53 = arith.constant 0 : i32
    %dma_start3A_54 = tpu.memref_slice %arg10[%dma_start3A_47, %dma_start3A_53] : memref<79x128xi32, #tpu.memory_space<vmem>> -> memref<1x128xi32, #tpu.memory_space<vmem>>
    %dma_start3A_55 = tpu.memref_squeeze %dma_start3A_54 : memref<1x128xi32, #tpu.memory_space<vmem>> -> memref<128xi32, #tpu.memory_space<vmem>>
    %dma_start3A_56 = arith.constant 0 : i32
    %dma_start3A_57 = arith.constant 0 : i32
    %dma_start3A_58 = tpu.memref_slice %arg20[%dma_start3A_56, %dma_start3A_57] : memref<10016x8xf32, #tpu.memory_space<vmem_shared>> -> memref<10016x8xf32, #tpu.memory_space<vmem_shared>>
    tpu.enqueue_indirect_dma source(%dma_start3A_58 : memref<10016x8xf32, #tpu.memory_space<vmem_shared>>) target(%dma_start3A_52 : memref<128x8xf32, #tpu.memory_space<vmem>>) offsets(%dma_start3A_55 : memref<128xi32, #tpu.memory_space<vmem>>) semaphore(%arg21 : memref<!tpu.dma_semaphore, #tpu.memory_space<semaphore_mem>>)
    %dma_start3A_59 = arith.constant 2 : i32
    %dma_start3A_60 = arith.constant 2 : i32
    %dma_start3A_61 = arith.constant 0 : i32
    %dma_start3A_62 = arith.constant 0 : i32
    %dma_start3A_63 = tpu.memref_slice %arg12[%dma_start3A_60, %dma_start3A_61, %dma_start3A_62] : memref<6x128x8xf32, #tpu.memory_space<vmem>> -> memref<1x128x8xf32, #tpu.memory_space<vmem>>
    %dma_start3A_64 = tpu.memref_squeeze %dma_start3A_63 : memref<1x128x8xf32, #tpu.memory_space<vmem>> -> memref<128x8xf32, #tpu.memory_space<vmem>>
    %dma_start3A_65 = arith.constant 0 : i32
    %dma_start3A_66 = tpu.memref_slice %arg10[%dma_start3A_59, %dma_start3A_65] : memref<79x128xi32, #tpu.memory_space<vmem>> -> memref<1x128xi32, #tpu.memory_space<vmem>>
    %dma_start3A_67 = tpu.memref_squeeze %dma_start3A_66 : memref<1x128xi32, #tpu.memory_space<vmem>> -> memref<128xi32, #tpu.memory_space<vmem>>
    %dma_start3A_68 = arith.constant 0 : i32
    %dma_start3A_69 = arith.constant 0 : i32
    %dma_start3A_70 = tpu.memref_slice %arg20[%dma_start3A_68, %dma_start3A_69] : memref<10016x8xf32, #tpu.memory_space<vmem_shared>> -> memref<10016x8xf32, #tpu.memory_space<vmem_shared>>
    tpu.enqueue_indirect_dma source(%dma_start3A_70 : memref<10016x8xf32, #tpu.memory_space<vmem_shared>>) target(%dma_start3A_64 : memref<128x8xf32, #tpu.memory_space<vmem>>) offsets(%dma_start3A_67 : memref<128xi32, #tpu.memory_space<vmem>>) semaphore(%arg21 : memref<!tpu.dma_semaphore, #tpu.memory_space<semaphore_mem>>)
    %scan3A_71 = arith.constant 0 : i32
    %scan3A_72 = arith.constant 0 : i32
    %scan3A_73 = arith.constant 79 : i32
    %scan3A_74 = arith.addi %scan3A_72, %scan3A_73 : i32
    %scan3A_75 = arith.constant 1 : i32
    %scan3A_76 = scf.for %scan3A_118 = %scan3A_72 to %scan3A_74 step %scan3A_75 iter_args(%scan3A_119 = %scan3A_71) -> (i32)  : i32 {
      %rem3A = arith.constant 6 : i32
      %rem3A_120 = arith.remsi %scan3A_118, %rem3A : i32
      %dma_wait3A_121 = arith.constant 0 : i32
      %dma_wait3A_122 = arith.constant 0 : i32
      %dma_wait3A_123 = tpu.memref_slice %arg12[%rem3A_120, %dma_wait3A_121, %dma_wait3A_122] : memref<6x128x8xf32, #tpu.memory_space<vmem>> -> memref<1x128x8xf32, #tpu.memory_space<vmem>>
      %dma_wait3A_124 = tpu.memref_squeeze %dma_wait3A_123 : memref<1x128x8xf32, #tpu.memory_space<vmem>> -> memref<128x8xf32, #tpu.memory_space<vmem>>
      %dma_wait3A_125 = arith.constant 0 : i32
      %dma_wait3A_126 = tpu.memref_slice %arg10[%scan3A_118, %dma_wait3A_125] : memref<79x128xi32, #tpu.memory_space<vmem>> -> memref<1x128xi32, #tpu.memory_space<vmem>>
      %dma_wait3A_127 = tpu.memref_squeeze %dma_wait3A_126 : memref<1x128xi32, #tpu.memory_space<vmem>> -> memref<128xi32, #tpu.memory_space<vmem>>
      %dma_wait3A_128 = arith.constant 0 : i32
      %dma_wait3A_129 = arith.constant 0 : i32
      %dma_wait3A_130 = tpu.memref_slice %arg20[%dma_wait3A_128, %dma_wait3A_129] : memref<10016x8xf32, #tpu.memory_space<vmem_shared>> -> memref<10016x8xf32, #tpu.memory_space<vmem_shared>>
      tpu.wait_indirect_dma semaphore(%arg21 : memref<!tpu.dma_semaphore, #tpu.memory_space<semaphore_mem>>) src(%dma_wait3A_130 : memref<10016x8xf32, #tpu.memory_space<vmem_shared>>) dst(%dma_wait3A_124 : memref<128x8xf32, #tpu.memory_space<vmem>>)
      %dma_start3A_131 = arith.constant 0 : i32
      %dma_start3A_132 = arith.constant 0 : i32
      %dma_start3A_133 = tpu.memref_slice %arg12[%rem3A_120, %dma_start3A_131, %dma_start3A_132] : memref<6x128x8xf32, #tpu.memory_space<vmem>> -> memref<1x128x8xf32, #tpu.memory_space<vmem>>
      %dma_start3A_134 = tpu.memref_squeeze %dma_start3A_133 : memref<1x128x8xf32, #tpu.memory_space<vmem>> -> memref<128x8xf32, #tpu.memory_space<vmem>>
      %dma_start3A_135 = arith.constant 0 : i32
      %dma_start3A_136 = tpu.memref_slice %arg11[%scan3A_118, %dma_start3A_135] : memref<79x128xi32, #tpu.memory_space<vmem>> -> memref<1x128xi32, #tpu.memory_space<vmem>>
      %dma_start3A_137 = tpu.memref_squeeze %dma_start3A_136 : memref<1x128xi32, #tpu.memory_space<vmem>> -> memref<128xi32, #tpu.memory_space<vmem>>
      %dma_start3A_138 = arith.constant 0 : i32
      %dma_start3A_139 = arith.constant 0 : i32
      %dma_start3A_140 = tpu.memref_slice %arg19[%dma_start3A_138, %dma_start3A_139] : memref<10016x8xf32, #tpu.memory_space<vmem_shared>> -> memref<10016x8xf32, #tpu.memory_space<vmem_shared>>
      tpu.enqueue_indirect_dma source(%dma_start3A_134 : memref<128x8xf32, #tpu.memory_space<vmem>>) target(%dma_start3A_140 : memref<10016x8xf32, #tpu.memory_space<vmem_shared>>) offsets(%dma_start3A_137 : memref<128xi32, #tpu.memory_space<vmem>>) semaphore(%arg22 : memref<!tpu.dma_semaphore, #tpu.memory_space<semaphore_mem>>) {add = true}
      %ge3A = arith.constant 3 : i32
      %ge3A_141 = arith.cmpi sge, %scan3A_118, %ge3A : i32
      %convert_element_type3A = arith.extui %ge3A_141 : i1 to i32
      %cond3A = arith.constant 0 : i32
      %cond3A_142 = arith.cmpi ne, %convert_element_type3A, %cond3A : i32
      scf.if %cond3A_142 {
        %sub3A = arith.constant 3 : i32
        %sub3A_150 = arith.subi %scan3A_118, %sub3A : i32
        %rem3A_151 = arith.constant 6 : i32
        %rem3A_152 = arith.remsi %sub3A_150, %rem3A_151 : i32
        %sub3A_153 = arith.constant 3 : i32
        %sub3A_154 = arith.subi %scan3A_118, %sub3A_153 : i32
        %dma_wait3A_155 = arith.constant 0 : i32
        %dma_wait3A_156 = arith.constant 0 : i32
        %dma_wait3A_157 = tpu.memref_slice %arg12[%rem3A_152, %dma_wait3A_155, %dma_wait3A_156] : memref<6x128x8xf32, #tpu.memory_space<vmem>> -> memref<1x128x8xf32, #tpu.memory_space<vmem>>
        %dma_wait3A_158 = tpu.memref_squeeze %dma_wait3A_157 : memref<1x128x8xf32, #tpu.memory_space<vmem>> -> memref<128x8xf32, #tpu.memory_space<vmem>>
        %dma_wait3A_159 = arith.constant 0 : i32
        %dma_wait3A_160 = tpu.memref_slice %arg11[%sub3A_154, %dma_wait3A_159] : memref<79x128xi32, #tpu.memory_space<vmem>> -> memref<1x128xi32, #tpu.memory_space<vmem>>
        %dma_wait3A_161 = tpu.memref_squeeze %dma_wait3A_160 : memref<1x128xi32, #tpu.memory_space<vmem>> -> memref<128xi32, #tpu.memory_space<vmem>>
        %dma_wait3A_162 = arith.constant 0 : i32
        %dma_wait3A_163 = arith.constant 0 : i32
        %dma_wait3A_164 = tpu.memref_slice %arg19[%dma_wait3A_162, %dma_wait3A_163] : memref<10016x8xf32, #tpu.memory_space<vmem_shared>> -> memref<10016x8xf32, #tpu.memory_space<vmem_shared>>
        tpu.wait_indirect_dma semaphore(%arg22 : memref<!tpu.dma_semaphore, #tpu.memory_space<semaphore_mem>>) src(%dma_wait3A_158 : memref<128x8xf32, #tpu.memory_space<vmem>>) dst(%dma_wait3A_164 : memref<10016x8xf32, #tpu.memory_space<vmem_shared>>)
      } else {
      }
      %add3A_143 = arith.constant 3 : i32
      %add3A_144 = arith.addi %scan3A_118, %add3A_143 : i32
      %lt3A = arith.constant 79 : i32
      %lt3A_145 = arith.cmpi slt, %add3A_144, %lt3A : i32
      %convert_element_type3A_146 = arith.extui %lt3A_145 : i1 to i32
      %cond3A_147 = arith.constant 0 : i32
      %cond3A_148 = arith.cmpi ne, %convert_element_type3A_146, %cond3A_147 : i32
      scf.if %cond3A_148 {
        %add3A_150 = arith.constant 3 : i32
        %add3A_151 = arith.addi %scan3A_118, %add3A_150 : i32
        %rem3A_152 = arith.constant 6 : i32
        %rem3A_153 = arith.remsi %add3A_151, %rem3A_152 : i32
        %add3A_154 = arith.constant 3 : i32
        %add3A_155 = arith.addi %scan3A_118, %add3A_154 : i32
        %dma_start3A_156 = arith.constant 0 : i32
        %dma_start3A_157 = arith.constant 0 : i32
        %dma_start3A_158 = tpu.memref_slice %arg12[%rem3A_153, %dma_start3A_156, %dma_start3A_157] : memref<6x128x8xf32, #tpu.memory_space<vmem>> -> memref<1x128x8xf32, #tpu.memory_space<vmem>>
        %dma_start3A_159 = tpu.memref_squeeze %dma_start3A_158 : memref<1x128x8xf32, #tpu.memory_space<vmem>> -> memref<128x8xf32, #tpu.memory_space<vmem>>
        %dma_start3A_160 = arith.constant 0 : i32
        %dma_start3A_161 = tpu.memref_slice %arg10[%add3A_155, %dma_start3A_160] : memref<79x128xi32, #tpu.memory_space<vmem>> -> memref<1x128xi32, #tpu.memory_space<vmem>>
        %dma_start3A_162 = tpu.memref_squeeze %dma_start3A_161 : memref<1x128xi32, #tpu.memory_space<vmem>> -> memref<128xi32, #tpu.memory_space<vmem>>
        %dma_start3A_163 = arith.constant 0 : i32
        %dma_start3A_164 = arith.constant 0 : i32
        %dma_start3A_165 = tpu.memref_slice %arg20[%dma_start3A_163, %dma_start3A_164] : memref<10016x8xf32, #tpu.memory_space<vmem_shared>> -> memref<10016x8xf32, #tpu.memory_space<vmem_shared>>
        tpu.enqueue_indirect_dma source(%dma_start3A_165 : memref<10016x8xf32, #tpu.memory_space<vmem_shared>>) target(%dma_start3A_159 : memref<128x8xf32, #tpu.memory_space<vmem>>) offsets(%dma_start3A_162 : memref<128xi32, #tpu.memory_space<vmem>>) semaphore(%arg21 : memref<!tpu.dma_semaphore, #tpu.memory_space<semaphore_mem>>)
      } else {
      }
      %scan3A_149 = arith.constant 0 : i32
      scf.yield %scan3A_149 : i32
    }
    %scan3A_77 = arith.constant 79 : i32
    %dma_wait3A = arith.constant 4 : i32
    %dma_wait3A_78 = arith.constant 76 : i32
    %dma_wait3A_79 = arith.constant 0 : i32
    %dma_wait3A_80 = arith.constant 0 : i32
    %dma_wait3A_81 = tpu.memref_slice %arg12[%dma_wait3A, %dma_wait3A_79, %dma_wait3A_80] : memref<6x128x8xf32, #tpu.memory_space<vmem>> -> memref<1x128x8xf32, #tpu.memory_space<vmem>>
    %dma_wait3A_82 = tpu.memref_squeeze %dma_wait3A_81 : memref<1x128x8xf32, #tpu.memory_space<vmem>> -> memref<128x8xf32, #tpu.memory_space<vmem>>
    %dma_wait3A_83 = arith.constant 0 : i32
    %dma_wait3A_84 = tpu.memref_slice %arg11[%dma_wait3A_78, %dma_wait3A_83] : memref<79x128xi32, #tpu.memory_space<vmem>> -> memref<1x128xi32, #tpu.memory_space<vmem>>
    %dma_wait3A_85 = tpu.memref_squeeze %dma_wait3A_84 : memref<1x128xi32, #tpu.memory_space<vmem>> -> memref<128xi32, #tpu.memory_space<vmem>>
    %dma_wait3A_86 = arith.constant 0 : i32
    %dma_wait3A_87 = arith.constant 0 : i32
    %dma_wait3A_88 = tpu.memref_slice %arg19[%dma_wait3A_86, %dma_wait3A_87] : memref<10016x8xf32, #tpu.memory_space<vmem_shared>> -> memref<10016x8xf32, #tpu.memory_space<vmem_shared>>
    tpu.wait_indirect_dma semaphore(%arg22 : memref<!tpu.dma_semaphore, #tpu.memory_space<semaphore_mem>>) src(%dma_wait3A_82 : memref<128x8xf32, #tpu.memory_space<vmem>>) dst(%dma_wait3A_88 : memref<10016x8xf32, #tpu.memory_space<vmem_shared>>)
    %dma_wait3A_89 = arith.constant 5 : i32
    %dma_wait3A_90 = arith.constant 77 : i32
    %dma_wait3A_91 = arith.constant 0 : i32
    %dma_wait3A_92 = arith.constant 0 : i32
    %dma_wait3A_93 = tpu.memref_slice %arg12[%dma_wait3A_89, %dma_wait3A_91, %dma_wait3A_92] : memref<6x128x8xf32, #tpu.memory_space<vmem>> -> memref<1x128x8xf32, #tpu.memory_space<vmem>>
    %dma_wait3A_94 = tpu.memref_squeeze %dma_wait3A_93 : memref<1x128x8xf32, #tpu.memory_space<vmem>> -> memref<128x8xf32, #tpu.memory_space<vmem>>
    %dma_wait3A_95 = arith.constant 0 : i32
    %dma_wait3A_96 = tpu.memref_slice %arg11[%dma_wait3A_90, %dma_wait3A_95] : memref<79x128xi32, #tpu.memory_space<vmem>> -> memref<1x128xi32, #tpu.memory_space<vmem>>
    %dma_wait3A_97 = tpu.memref_squeeze %dma_wait3A_96 : memref<1x128xi32, #tpu.memory_space<vmem>> -> memref<128xi32, #tpu.memory_space<vmem>>
    %dma_wait3A_98 = arith.constant 0 : i32
    %dma_wait3A_99 = arith.constant 0 : i32
    %dma_wait3A_100 = tpu.memref_slice %arg19[%dma_wait3A_98, %dma_wait3A_99] : memref<10016x8xf32, #tpu.memory_space<vmem_shared>> -> memref<10016x8xf32, #tpu.memory_space<vmem_shared>>
    tpu.wait_indirect_dma semaphore(%arg22 : memref<!tpu.dma_semaphore, #tpu.memory_space<semaphore_mem>>) src(%dma_wait3A_94 : memref<128x8xf32, #tpu.memory_space<vmem>>) dst(%dma_wait3A_100 : memref<10016x8xf32, #tpu.memory_space<vmem_shared>>)
    %dma_wait3A_101 = arith.constant 0 : i32
    %dma_wait3A_102 = arith.constant 78 : i32
    %dma_wait3A_103 = arith.constant 0 : i32
    %dma_wait3A_104 = arith.constant 0 : i32
    %dma_wait3A_105 = tpu.memref_slice %arg12[%dma_wait3A_101, %dma_wait3A_103, %dma_wait3A_104] : memref<6x128x8xf32, #tpu.memory_space<vmem>> -> memref<1x128x8xf32, #tpu.memory_space<vmem>>
    %dma_wait3A_106 = tpu.memref_squeeze %dma_wait3A_105 : memref<1x128x8xf32, #tpu.memory_space<vmem>> -> memref<128x8xf32, #tpu.memory_space<vmem>>
    %dma_wait3A_107 = arith.constant 0 : i32
    %dma_wait3A_108 = tpu.memref_slice %arg11[%dma_wait3A_102, %dma_wait3A_107] : memref<79x128xi32, #tpu.memory_space<vmem>> -> memref<1x128xi32, #tpu.memory_space<vmem>>
    %dma_wait3A_109 = tpu.memref_squeeze %dma_wait3A_108 : memref<1x128xi32, #tpu.memory_space<vmem>> -> memref<128xi32, #tpu.memory_space<vmem>>
    %dma_wait3A_110 = arith.constant 0 : i32
    %dma_wait3A_111 = arith.constant 0 : i32
    %dma_wait3A_112 = tpu.memref_slice %arg19[%dma_wait3A_110, %dma_wait3A_111] : memref<10016x8xf32, #tpu.memory_space<vmem_shared>> -> memref<10016x8xf32, #tpu.memory_space<vmem_shared>>
    tpu.wait_indirect_dma semaphore(%arg22 : memref<!tpu.dma_semaphore, #tpu.memory_space<semaphore_mem>>) src(%dma_wait3A_106 : memref<128x8xf32, #tpu.memory_space<vmem>>) dst(%dma_wait3A_112 : memref<10016x8xf32, #tpu.memory_space<vmem_shared>>)
    %barrier3A_113 = arith.constant 0 : index
    tpu.barrier barrier_id(%barrier3A_113)
    %mul3A_114 = arith.constant 626 : i32
    %mul3A_115 = arith.muli %arg1, %mul3A_114 : i32
    %mul3A_116 = arith.constant 626 : i32
    %mul3A_117 = arith.muli %arg1, %mul3A_116 : i32
    "tpu.region"() ({
      %run_scoped3A_118 = tpu.sem_alloc : memref<!tpu.dma_semaphore, #tpu.memory_space<semaphore_mem>>
      %dma_start3A_119 = arith.constant 0 : i32
      %dma_start3A_120 = tpu.memref_slice %arg8[%arg0, %mul3A_117, %dma_start3A_119] : memref<2x10016x8xf32, #tpu.memory_space<hbm>> -> memref<1x626x8xf32, #tpu.memory_space<hbm>>
      %dma_start3A_121 = tpu.memref_squeeze %dma_start3A_120 : memref<1x626x8xf32, #tpu.memory_space<hbm>> -> memref<626x8xf32, #tpu.memory_space<hbm>>
      %dma_start3A_122 = arith.constant 0 : i32
      %dma_start3A_123 = tpu.memref_slice %arg19[%mul3A_115, %dma_start3A_122] : memref<10016x8xf32, #tpu.memory_space<vmem_shared>> -> memref<626x8xf32, #tpu.memory_space<vmem_shared>>
      tpu.enqueue_dma source(%dma_start3A_123 : memref<626x8xf32, #tpu.memory_space<vmem_shared>>) target(%dma_start3A_121 : memref<626x8xf32, #tpu.memory_space<hbm>>) target_semaphore(%run_scoped3A_118 : memref<!tpu.dma_semaphore, #tpu.memory_space<semaphore_mem>>)
      %dma_wait3A_124 = arith.constant 0 : i32
      %dma_wait3A_125 = tpu.memref_slice %arg8[%arg0, %mul3A_117, %dma_wait3A_124] : memref<2x10016x8xf32, #tpu.memory_space<hbm>> -> memref<1x626x8xf32, #tpu.memory_space<hbm>>
      %dma_wait3A_126 = tpu.memref_squeeze %dma_wait3A_125 : memref<1x626x8xf32, #tpu.memory_space<hbm>> -> memref<626x8xf32, #tpu.memory_space<hbm>>
      %dma_wait3A_127 = arith.constant 0 : i32
      %dma_wait3A_128 = tpu.memref_slice %arg19[%mul3A_115, %dma_wait3A_127] : memref<10016x8xf32, #tpu.memory_space<vmem_shared>> -> memref<626x8xf32, #tpu.memory_space<vmem_shared>>
      tpu.wait_dma2 semaphore(%run_scoped3A_118 : memref<!tpu.dma_semaphore, #tpu.memory_space<semaphore_mem>>) src(%dma_wait3A_128 : memref<626x8xf32, #tpu.memory_space<vmem_shared>>) dst(%dma_wait3A_126 : memref<626x8xf32, #tpu.memory_space<hbm>>)
      tpu.yield
    }) : () -> ()
    return
  }
}

#map = affine_map<(d0, d1) -> (0, 0, 0, 0)>
#map1 = affine_map<(d0, d1) -> (0, 0)>
#map2 = affine_map<(d0, d1) -> (0, 0, 0)>
module attributes {stable_mosaic.version = 14 : i64} {
  func.func @body(%arg0: i32, %arg1: i32, %arg2: memref<2x32x79x128xi32, #tpu.memory_space<hbm>>, %arg3: memref<128x8xf32, #tpu.memory_space<hbm>>, %arg4: memref<10016x8xf32, #tpu.memory_space<hbm>>, %arg5: memref<2x10016x8xf32, #tpu.memory_space<hbm>>, %arg6: memref<79x128xi32, #tpu.memory_space<vmem>>, %arg7: memref<79x128xi32, #tpu.memory_space<vmem>>, %arg8: memref<6x128x8xf32, #tpu.memory_space<vmem>>, %arg9: memref<10016x8xf32, #tpu.memory_space<vmem_shared>>, %arg10: memref<10016x8xf32, #tpu.memory_space<vmem_shared>>, %arg11: memref<!tpu.dma_semaphore, #tpu.memory_space<semaphore_mem>>, %arg12: memref<!tpu.dma_semaphore, #tpu.memory_space<semaphore_mem>>) attributes {dimension_semantics = [#tpu.dimension_semantics<core_parallel>, #tpu.dimension_semantics<subcore_parallel>], iteration_bounds = array<i64: 2, 16>, scalar_prefetch = 0 : i64, scratch_operands = 7 : i64, tpu.core_type = #tpu.core_type<sc_vector_subcore>, window_params = [{transform_indices = #map}, {transform_indices = #map1}, {transform_indices = #map1}, {transform_indices = #map2}]} {
    %mul3A = arith.constant 16 : i32
    %mul3A_0 = arith.muli %arg0, %mul3A : i32
    %add3A = arith.addi %mul3A_0, %arg1 : i32
    %mul3A_1 = arith.constant 626 : i32
    %mul3A_2 = arith.muli %arg1, %mul3A_1 : i32
    %mul3A_3 = arith.constant 626 : i32
    %mul3A_4 = arith.muli %arg1, %mul3A_3 : i32
    "tpu.region"() ({
      %run_scoped3A_53 = tpu.sem_alloc : memref<!tpu.dma_semaphore, #tpu.memory_space<semaphore_mem>>
      %dma_start3A = arith.constant 0 : i32
      %dma_start3A_54 = tpu.memref_slice %arg9[%mul3A_4, %dma_start3A] : memref<10016x8xf32, #tpu.memory_space<vmem_shared>> -> memref<626x8xf32, #tpu.memory_space<vmem_shared>>
      %dma_start3A_55 = arith.constant 0 : i32
      %dma_start3A_56 = tpu.memref_slice %arg4[%mul3A_2, %dma_start3A_55] : memref<10016x8xf32, #tpu.memory_space<hbm>> -> memref<626x8xf32, #tpu.memory_space<hbm>>
      tpu.enqueue_dma source(%dma_start3A_56 : memref<626x8xf32, #tpu.memory_space<hbm>>) target(%dma_start3A_54 : memref<626x8xf32, #tpu.memory_space<vmem_shared>>) target_semaphore(%run_scoped3A_53 : memref<!tpu.dma_semaphore, #tpu.memory_space<semaphore_mem>>)
      %dma_wait3A_57 = arith.constant 0 : i32
      %dma_wait3A_58 = tpu.memref_slice %arg9[%mul3A_4, %dma_wait3A_57] : memref<10016x8xf32, #tpu.memory_space<vmem_shared>> -> memref<626x8xf32, #tpu.memory_space<vmem_shared>>
      %dma_wait3A_59 = arith.constant 0 : i32
      %dma_wait3A_60 = tpu.memref_slice %arg4[%mul3A_2, %dma_wait3A_59] : memref<10016x8xf32, #tpu.memory_space<hbm>> -> memref<626x8xf32, #tpu.memory_space<hbm>>
      tpu.wait_dma2 semaphore(%run_scoped3A_53 : memref<!tpu.dma_semaphore, #tpu.memory_space<semaphore_mem>>) src(%dma_wait3A_60 : memref<626x8xf32, #tpu.memory_space<hbm>>) dst(%dma_wait3A_58 : memref<626x8xf32, #tpu.memory_space<vmem_shared>>)
      tpu.yield
    }) : () -> ()
    %run_scoped3A = arith.constant 0 : i32
    "tpu.region"() ({
      %run_scoped3A_53 = tpu.sem_alloc : memref<!tpu.dma_semaphore, #tpu.memory_space<semaphore_mem>>
      %dma_start3A = arith.constant 0 : i32
      %dma_start3A_54 = arith.constant 0 : i32
      %dma_start3A_55 = tpu.memref_slice %arg2[%run_scoped3A, %add3A, %dma_start3A, %dma_start3A_54] : memref<2x32x79x128xi32, #tpu.memory_space<hbm>> -> memref<1x1x79x128xi32, #tpu.memory_space<hbm>>
      %dma_start3A_56 = tpu.memref_squeeze %dma_start3A_55 : memref<1x1x79x128xi32, #tpu.memory_space<hbm>> -> memref<79x128xi32, #tpu.memory_space<hbm>>
      %dma_start3A_57 = arith.constant 0 : i32
      %dma_start3A_58 = arith.constant 0 : i32
      %dma_start3A_59 = tpu.memref_slice %arg2[%run_scoped3A, %add3A, %dma_start3A_57, %dma_start3A_58] : memref<2x32x79x128xi32, #tpu.memory_space<hbm>> -> memref<1x1x79x128xi32, #tpu.memory_space<hbm>>
      %dma_start3A_60 = tpu.memref_squeeze %dma_start3A_59 : memref<1x1x79x128xi32, #tpu.memory_space<hbm>> -> memref<79x128xi32, #tpu.memory_space<hbm>>
      tpu.enqueue_dma source(%dma_start3A_60 : memref<79x128xi32, #tpu.memory_space<hbm>>) target(%arg6 : memref<79x128xi32, #tpu.memory_space<vmem>>) target_semaphore(%run_scoped3A_53 : memref<!tpu.dma_semaphore, #tpu.memory_space<semaphore_mem>>)
      %dma_wait3A_61 = arith.constant 0 : i32
      %dma_wait3A_62 = arith.constant 0 : i32
      %dma_wait3A_63 = tpu.memref_slice %arg2[%run_scoped3A, %add3A, %dma_wait3A_61, %dma_wait3A_62] : memref<2x32x79x128xi32, #tpu.memory_space<hbm>> -> memref<1x1x79x128xi32, #tpu.memory_space<hbm>>
      %dma_wait3A_64 = tpu.memref_squeeze %dma_wait3A_63 : memref<1x1x79x128xi32, #tpu.memory_space<hbm>> -> memref<79x128xi32, #tpu.memory_space<hbm>>
      %dma_wait3A_65 = arith.constant 0 : i32
      %dma_wait3A_66 = arith.constant 0 : i32
      %dma_wait3A_67 = tpu.memref_slice %arg2[%run_scoped3A, %add3A, %dma_wait3A_65, %dma_wait3A_66] : memref<2x32x79x128xi32, #tpu.memory_space<hbm>> -> memref<1x1x79x128xi32, #tpu.memory_space<hbm>>
      %dma_wait3A_68 = tpu.memref_squeeze %dma_wait3A_67 : memref<1x1x79x128xi32, #tpu.memory_space<hbm>> -> memref<79x128xi32, #tpu.memory_space<hbm>>
      tpu.wait_dma2 semaphore(%run_scoped3A_53 : memref<!tpu.dma_semaphore, #tpu.memory_space<semaphore_mem>>) src(%dma_wait3A_68 : memref<79x128xi32, #tpu.memory_space<hbm>>) dst(%arg6 : memref<79x128xi32, #tpu.memory_space<vmem>>)
      tpu.yield
    }) : () -> ()
    %run_scoped3A_5 = arith.constant 1 : i32
    "tpu.region"() ({
      %run_scoped3A_53 = tpu.sem_alloc : memref<!tpu.dma_semaphore, #tpu.memory_space<semaphore_mem>>
      %dma_start3A = arith.constant 0 : i32
      %dma_start3A_54 = arith.constant 0 : i32
      %dma_start3A_55 = tpu.memref_slice %arg2[%run_scoped3A_5, %add3A, %dma_start3A, %dma_start3A_54] : memref<2x32x79x128xi32, #tpu.memory_space<hbm>> -> memref<1x1x79x128xi32, #tpu.memory_space<hbm>>
      %dma_start3A_56 = tpu.memref_squeeze %dma_start3A_55 : memref<1x1x79x128xi32, #tpu.memory_space<hbm>> -> memref<79x128xi32, #tpu.memory_space<hbm>>
      %dma_start3A_57 = arith.constant 0 : i32
      %dma_start3A_58 = arith.constant 0 : i32
      %dma_start3A_59 = tpu.memref_slice %arg2[%run_scoped3A_5, %add3A, %dma_start3A_57, %dma_start3A_58] : memref<2x32x79x128xi32, #tpu.memory_space<hbm>> -> memref<1x1x79x128xi32, #tpu.memory_space<hbm>>
      %dma_start3A_60 = tpu.memref_squeeze %dma_start3A_59 : memref<1x1x79x128xi32, #tpu.memory_space<hbm>> -> memref<79x128xi32, #tpu.memory_space<hbm>>
      tpu.enqueue_dma source(%dma_start3A_60 : memref<79x128xi32, #tpu.memory_space<hbm>>) target(%arg7 : memref<79x128xi32, #tpu.memory_space<vmem>>) target_semaphore(%run_scoped3A_53 : memref<!tpu.dma_semaphore, #tpu.memory_space<semaphore_mem>>)
      %dma_wait3A_61 = arith.constant 0 : i32
      %dma_wait3A_62 = arith.constant 0 : i32
      %dma_wait3A_63 = tpu.memref_slice %arg2[%run_scoped3A_5, %add3A, %dma_wait3A_61, %dma_wait3A_62] : memref<2x32x79x128xi32, #tpu.memory_space<hbm>> -> memref<1x1x79x128xi32, #tpu.memory_space<hbm>>
      %dma_wait3A_64 = tpu.memref_squeeze %dma_wait3A_63 : memref<1x1x79x128xi32, #tpu.memory_space<hbm>> -> memref<79x128xi32, #tpu.memory_space<hbm>>
      %dma_wait3A_65 = arith.constant 0 : i32
      %dma_wait3A_66 = arith.constant 0 : i32
      %dma_wait3A_67 = tpu.memref_slice %arg2[%run_scoped3A_5, %add3A, %dma_wait3A_65, %dma_wait3A_66] : memref<2x32x79x128xi32, #tpu.memory_space<hbm>> -> memref<1x1x79x128xi32, #tpu.memory_space<hbm>>
      %dma_wait3A_68 = tpu.memref_squeeze %dma_wait3A_67 : memref<1x1x79x128xi32, #tpu.memory_space<hbm>> -> memref<79x128xi32, #tpu.memory_space<hbm>>
      tpu.wait_dma2 semaphore(%run_scoped3A_53 : memref<!tpu.dma_semaphore, #tpu.memory_space<semaphore_mem>>) src(%dma_wait3A_68 : memref<79x128xi32, #tpu.memory_space<hbm>>) dst(%arg7 : memref<79x128xi32, #tpu.memory_space<vmem>>)
      tpu.yield
    }) : () -> ()
    %run_scoped3A_6 = arith.constant 0 : i32
    "tpu.region"() ({
      %run_scoped3A_53 = tpu.sem_alloc : memref<!tpu.dma_semaphore, #tpu.memory_space<semaphore_mem>>
      %dma_start3A = arith.constant 0 : i32
      %dma_start3A_54 = arith.constant 0 : i32
      %dma_start3A_55 = tpu.memref_slice %arg8[%run_scoped3A_6, %dma_start3A, %dma_start3A_54] : memref<6x128x8xf32, #tpu.memory_space<vmem>> -> memref<1x128x8xf32, #tpu.memory_space<vmem>>
      %dma_start3A_56 = tpu.memref_squeeze %dma_start3A_55 : memref<1x128x8xf32, #tpu.memory_space<vmem>> -> memref<128x8xf32, #tpu.memory_space<vmem>>
      %dma_start3A_57 = arith.constant 0 : i32
      %dma_start3A_58 = arith.constant 0 : i32
      %dma_start3A_59 = tpu.memref_slice %arg3[%dma_start3A_57, %dma_start3A_58] : memref<128x8xf32, #tpu.memory_space<hbm>> -> memref<128x8xf32, #tpu.memory_space<hbm>>
      %dma_start3A_60 = arith.constant 0 : i32
      %dma_start3A_61 = arith.constant 0 : i32
      %dma_start3A_62 = tpu.memref_slice %arg8[%run_scoped3A_6, %dma_start3A_60, %dma_start3A_61] : memref<6x128x8xf32, #tpu.memory_space<vmem>> -> memref<1x128x8xf32, #tpu.memory_space<vmem>>
      %dma_start3A_63 = tpu.memref_squeeze %dma_start3A_62 : memref<1x128x8xf32, #tpu.memory_space<vmem>> -> memref<128x8xf32, #tpu.memory_space<vmem>>
      %dma_start3A_64 = arith.constant 0 : i32
      %dma_start3A_65 = arith.constant 0 : i32
      %dma_start3A_66 = tpu.memref_slice %arg3[%dma_start3A_64, %dma_start3A_65] : memref<128x8xf32, #tpu.memory_space<hbm>> -> memref<128x8xf32, #tpu.memory_space<hbm>>
      tpu.enqueue_dma source(%dma_start3A_66 : memref<128x8xf32, #tpu.memory_space<hbm>>) target(%dma_start3A_63 : memref<128x8xf32, #tpu.memory_space<vmem>>) target_semaphore(%run_scoped3A_53 : memref<!tpu.dma_semaphore, #tpu.memory_space<semaphore_mem>>)
      %dma_wait3A_67 = arith.constant 0 : i32
      %dma_wait3A_68 = arith.constant 0 : i32
      %dma_wait3A_69 = tpu.memref_slice %arg8[%run_scoped3A_6, %dma_wait3A_67, %dma_wait3A_68] : memref<6x128x8xf32, #tpu.memory_space<vmem>> -> memref<1x128x8xf32, #tpu.memory_space<vmem>>
      %dma_wait3A_70 = tpu.memref_squeeze %dma_wait3A_69 : memref<1x128x8xf32, #tpu.memory_space<vmem>> -> memref<128x8xf32, #tpu.memory_space<vmem>>
      %dma_wait3A_71 = arith.constant 0 : i32
      %dma_wait3A_72 = arith.constant 0 : i32
      %dma_wait3A_73 = tpu.memref_slice %arg3[%dma_wait3A_71, %dma_wait3A_72] : memref<128x8xf32, #tpu.memory_space<hbm>> -> memref<128x8xf32, #tpu.memory_space<hbm>>
      %dma_wait3A_74 = arith.constant 0 : i32
      %dma_wait3A_75 = arith.constant 0 : i32
      %dma_wait3A_76 = tpu.memref_slice %arg8[%run_scoped3A_6, %dma_wait3A_74, %dma_wait3A_75] : memref<6x128x8xf32, #tpu.memory_space<vmem>> -> memref<1x128x8xf32, #tpu.memory_space<vmem>>
      %dma_wait3A_77 = tpu.memref_squeeze %dma_wait3A_76 : memref<1x128x8xf32, #tpu.memory_space<vmem>> -> memref<128x8xf32, #tpu.memory_space<vmem>>
      %dma_wait3A_78 = arith.constant 0 : i32
      %dma_wait3A_79 = arith.constant 0 : i32
      %dma_wait3A_80 = tpu.memref_slice %arg3[%dma_wait3A_78, %dma_wait3A_79] : memref<128x8xf32, #tpu.memory_space<hbm>> -> memref<128x8xf32, #tpu.memory_space<hbm>>
      tpu.wait_dma2 semaphore(%run_scoped3A_53 : memref<!tpu.dma_semaphore, #tpu.memory_space<semaphore_mem>>) src(%dma_wait3A_80 : memref<128x8xf32, #tpu.memory_space<hbm>>) dst(%dma_wait3A_77 : memref<128x8xf32, #tpu.memory_space<vmem>>)
      tpu.yield
    }) : () -> ()
    %barrier3A = arith.constant 0 : index
    tpu.barrier barrier_id(%barrier3A)
    %scan3A = arith.constant 0 : i32
    %scan3A_7 = arith.constant 0 : i32
    %scan3A_8 = arith.constant 79 : i32
    %scan3A_9 = arith.addi %scan3A_7, %scan3A_8 : i32
    %scan3A_10 = arith.constant 1 : i32
    %scan3A_11 = scf.for %scan3A_53 = %scan3A_7 to %scan3A_9 step %scan3A_10 iter_args(%scan3A_54 = %scan3A) -> (i32)  : i32 {
      %dma_start3A = arith.constant 0 : i32
      %dma_start3A_55 = arith.constant 0 : i32
      %dma_start3A_56 = arith.constant 0 : i32
      %dma_start3A_57 = tpu.memref_slice %arg8[%dma_start3A, %dma_start3A_55, %dma_start3A_56] : memref<6x128x8xf32, #tpu.memory_space<vmem>> -> memref<1x128x8xf32, #tpu.memory_space<vmem>>
      %dma_start3A_58 = tpu.memref_squeeze %dma_start3A_57 : memref<1x128x8xf32, #tpu.memory_space<vmem>> -> memref<128x8xf32, #tpu.memory_space<vmem>>
      %dma_start3A_59 = arith.constant 0 : i32
      %dma_start3A_60 = tpu.memref_slice %arg7[%scan3A_53, %dma_start3A_59] : memref<79x128xi32, #tpu.memory_space<vmem>> -> memref<1x128xi32, #tpu.memory_space<vmem>>
      %dma_start3A_61 = tpu.memref_squeeze %dma_start3A_60 : memref<1x128xi32, #tpu.memory_space<vmem>> -> memref<128xi32, #tpu.memory_space<vmem>>
      %dma_start3A_62 = arith.constant 0 : i32
      %dma_start3A_63 = arith.constant 0 : i32
      %dma_start3A_64 = tpu.memref_slice %arg9[%dma_start3A_62, %dma_start3A_63] : memref<10016x8xf32, #tpu.memory_space<vmem_shared>> -> memref<10016x8xf32, #tpu.memory_space<vmem_shared>>
      tpu.enqueue_indirect_dma source(%dma_start3A_58 : memref<128x8xf32, #tpu.memory_space<vmem>>) target(%dma_start3A_64 : memref<10016x8xf32, #tpu.memory_space<vmem_shared>>) offsets(%dma_start3A_61 : memref<128xi32, #tpu.memory_space<vmem>>) semaphore(%arg12 : memref<!tpu.dma_semaphore, #tpu.memory_space<semaphore_mem>>) {add = true}
      %ge3A = arith.constant 3 : i32
      %ge3A_65 = arith.cmpi sge, %scan3A_53, %ge3A : i32
      %convert_element_type3A = arith.extui %ge3A_65 : i1 to i32
      %cond3A = arith.constant 0 : i32
      %cond3A_66 = arith.cmpi ne, %convert_element_type3A, %cond3A : i32
      scf.if %cond3A_66 {
        %sub3A = arith.constant 3 : i32
        %sub3A_68 = arith.subi %scan3A_53, %sub3A : i32
        %dma_wait3A_69 = arith.constant 0 : i32
        %dma_wait3A_70 = arith.constant 0 : i32
        %dma_wait3A_71 = arith.constant 0 : i32
        %dma_wait3A_72 = tpu.memref_slice %arg8[%dma_wait3A_69, %dma_wait3A_70, %dma_wait3A_71] : memref<6x128x8xf32, #tpu.memory_space<vmem>> -> memref<1x128x8xf32, #tpu.memory_space<vmem>>
        %dma_wait3A_73 = tpu.memref_squeeze %dma_wait3A_72 : memref<1x128x8xf32, #tpu.memory_space<vmem>> -> memref<128x8xf32, #tpu.memory_space<vmem>>
        %dma_wait3A_74 = arith.constant 0 : i32
        %dma_wait3A_75 = tpu.memref_slice %arg7[%sub3A_68, %dma_wait3A_74] : memref<79x128xi32, #tpu.memory_space<vmem>> -> memref<1x128xi32, #tpu.memory_space<vmem>>
        %dma_wait3A_76 = tpu.memref_squeeze %dma_wait3A_75 : memref<1x128xi32, #tpu.memory_space<vmem>> -> memref<128xi32, #tpu.memory_space<vmem>>
        %dma_wait3A_77 = arith.constant 0 : i32
        %dma_wait3A_78 = arith.constant 0 : i32
        %dma_wait3A_79 = tpu.memref_slice %arg9[%dma_wait3A_77, %dma_wait3A_78] : memref<10016x8xf32, #tpu.memory_space<vmem_shared>> -> memref<10016x8xf32, #tpu.memory_space<vmem_shared>>
        tpu.wait_indirect_dma semaphore(%arg12 : memref<!tpu.dma_semaphore, #tpu.memory_space<semaphore_mem>>) src(%dma_wait3A_73 : memref<128x8xf32, #tpu.memory_space<vmem>>) dst(%dma_wait3A_79 : memref<10016x8xf32, #tpu.memory_space<vmem_shared>>)
      } else {
      }
      %scan3A_67 = arith.constant 0 : i32
      scf.yield %scan3A_67 : i32
    }
    %scan3A_12 = arith.constant 79 : i32
    %dma_wait3A = arith.constant 0 : i32
    %dma_wait3A_13 = arith.constant 76 : i32
    %dma_wait3A_14 = arith.constant 0 : i32
    %dma_wait3A_15 = arith.constant 0 : i32
    %dma_wait3A_16 = tpu.memref_slice %arg8[%dma_wait3A, %dma_wait3A_14, %dma_wait3A_15] : memref<6x128x8xf32, #tpu.memory_space<vmem>> -> memref<1x128x8xf32, #tpu.memory_space<vmem>>
    %dma_wait3A_17 = tpu.memref_squeeze %dma_wait3A_16 : memref<1x128x8xf32, #tpu.memory_space<vmem>> -> memref<128x8xf32, #tpu.memory_space<vmem>>
    %dma_wait3A_18 = arith.constant 0 : i32
    %dma_wait3A_19 = tpu.memref_slice %arg7[%dma_wait3A_13, %dma_wait3A_18] : memref<79x128xi32, #tpu.memory_space<vmem>> -> memref<1x128xi32, #tpu.memory_space<vmem>>
    %dma_wait3A_20 = tpu.memref_squeeze %dma_wait3A_19 : memref<1x128xi32, #tpu.memory_space<vmem>> -> memref<128xi32, #tpu.memory_space<vmem>>
    %dma_wait3A_21 = arith.constant 0 : i32
    %dma_wait3A_22 = arith.constant 0 : i32
    %dma_wait3A_23 = tpu.memref_slice %arg9[%dma_wait3A_21, %dma_wait3A_22] : memref<10016x8xf32, #tpu.memory_space<vmem_shared>> -> memref<10016x8xf32, #tpu.memory_space<vmem_shared>>
    tpu.wait_indirect_dma semaphore(%arg12 : memref<!tpu.dma_semaphore, #tpu.memory_space<semaphore_mem>>) src(%dma_wait3A_17 : memref<128x8xf32, #tpu.memory_space<vmem>>) dst(%dma_wait3A_23 : memref<10016x8xf32, #tpu.memory_space<vmem_shared>>)
    %dma_wait3A_24 = arith.constant 0 : i32
    %dma_wait3A_25 = arith.constant 77 : i32
    %dma_wait3A_26 = arith.constant 0 : i32
    %dma_wait3A_27 = arith.constant 0 : i32
    %dma_wait3A_28 = tpu.memref_slice %arg8[%dma_wait3A_24, %dma_wait3A_26, %dma_wait3A_27] : memref<6x128x8xf32, #tpu.memory_space<vmem>> -> memref<1x128x8xf32, #tpu.memory_space<vmem>>
    %dma_wait3A_29 = tpu.memref_squeeze %dma_wait3A_28 : memref<1x128x8xf32, #tpu.memory_space<vmem>> -> memref<128x8xf32, #tpu.memory_space<vmem>>
    %dma_wait3A_30 = arith.constant 0 : i32
    %dma_wait3A_31 = tpu.memref_slice %arg7[%dma_wait3A_25, %dma_wait3A_30] : memref<79x128xi32, #tpu.memory_space<vmem>> -> memref<1x128xi32, #tpu.memory_space<vmem>>
    %dma_wait3A_32 = tpu.memref_squeeze %dma_wait3A_31 : memref<1x128xi32, #tpu.memory_space<vmem>> -> memref<128xi32, #tpu.memory_space<vmem>>
    %dma_wait3A_33 = arith.constant 0 : i32
    %dma_wait3A_34 = arith.constant 0 : i32
    %dma_wait3A_35 = tpu.memref_slice %arg9[%dma_wait3A_33, %dma_wait3A_34] : memref<10016x8xf32, #tpu.memory_space<vmem_shared>> -> memref<10016x8xf32, #tpu.memory_space<vmem_shared>>
    tpu.wait_indirect_dma semaphore(%arg12 : memref<!tpu.dma_semaphore, #tpu.memory_space<semaphore_mem>>) src(%dma_wait3A_29 : memref<128x8xf32, #tpu.memory_space<vmem>>) dst(%dma_wait3A_35 : memref<10016x8xf32, #tpu.memory_space<vmem_shared>>)
    %dma_wait3A_36 = arith.constant 0 : i32
    %dma_wait3A_37 = arith.constant 78 : i32
    %dma_wait3A_38 = arith.constant 0 : i32
    %dma_wait3A_39 = arith.constant 0 : i32
    %dma_wait3A_40 = tpu.memref_slice %arg8[%dma_wait3A_36, %dma_wait3A_38, %dma_wait3A_39] : memref<6x128x8xf32, #tpu.memory_space<vmem>> -> memref<1x128x8xf32, #tpu.memory_space<vmem>>
    %dma_wait3A_41 = tpu.memref_squeeze %dma_wait3A_40 : memref<1x128x8xf32, #tpu.memory_space<vmem>> -> memref<128x8xf32, #tpu.memory_space<vmem>>
    %dma_wait3A_42 = arith.constant 0 : i32
    %dma_wait3A_43 = tpu.memref_slice %arg7[%dma_wait3A_37, %dma_wait3A_42] : memref<79x128xi32, #tpu.memory_space<vmem>> -> memref<1x128xi32, #tpu.memory_space<vmem>>
    %dma_wait3A_44 = tpu.memref_squeeze %dma_wait3A_43 : memref<1x128xi32, #tpu.memory_space<vmem>> -> memref<128xi32, #tpu.memory_space<vmem>>
    %dma_wait3A_45 = arith.constant 0 : i32
    %dma_wait3A_46 = arith.constant 0 : i32
    %dma_wait3A_47 = tpu.memref_slice %arg9[%dma_wait3A_45, %dma_wait3A_46] : memref<10016x8xf32, #tpu.memory_space<vmem_shared>> -> memref<10016x8xf32, #tpu.memory_space<vmem_shared>>
    tpu.wait_indirect_dma semaphore(%arg12 : memref<!tpu.dma_semaphore, #tpu.memory_space<semaphore_mem>>) src(%dma_wait3A_41 : memref<128x8xf32, #tpu.memory_space<vmem>>) dst(%dma_wait3A_47 : memref<10016x8xf32, #tpu.memory_space<vmem_shared>>)
    %barrier3A_48 = arith.constant 0 : index
    tpu.barrier barrier_id(%barrier3A_48)
    %mul3A_49 = arith.constant 626 : i32
    %mul3A_50 = arith.muli %arg1, %mul3A_49 : i32
    %mul3A_51 = arith.constant 626 : i32
    %mul3A_52 = arith.muli %arg1, %mul3A_51 : i32
    "tpu.region"() ({
      %run_scoped3A_53 = tpu.sem_alloc : memref<!tpu.dma_semaphore, #tpu.memory_space<semaphore_mem>>
      %dma_start3A = arith.constant 0 : i32
      %dma_start3A_54 = tpu.memref_slice %arg5[%arg0, %mul3A_52, %dma_start3A] : memref<2x10016x8xf32, #tpu.memory_space<hbm>> -> memref<1x626x8xf32, #tpu.memory_space<hbm>>
      %dma_start3A_55 = tpu.memref_squeeze %dma_start3A_54 : memref<1x626x8xf32, #tpu.memory_space<hbm>> -> memref<626x8xf32, #tpu.memory_space<hbm>>
      %dma_start3A_56 = arith.constant 0 : i32
      %dma_start3A_57 = tpu.memref_slice %arg9[%mul3A_50, %dma_start3A_56] : memref<10016x8xf32, #tpu.memory_space<vmem_shared>> -> memref<626x8xf32, #tpu.memory_space<vmem_shared>>
      tpu.enqueue_dma source(%dma_start3A_57 : memref<626x8xf32, #tpu.memory_space<vmem_shared>>) target(%dma_start3A_55 : memref<626x8xf32, #tpu.memory_space<hbm>>) target_semaphore(%run_scoped3A_53 : memref<!tpu.dma_semaphore, #tpu.memory_space<semaphore_mem>>)
      %dma_wait3A_58 = arith.constant 0 : i32
      %dma_wait3A_59 = tpu.memref_slice %arg5[%arg0, %mul3A_52, %dma_wait3A_58] : memref<2x10016x8xf32, #tpu.memory_space<hbm>> -> memref<1x626x8xf32, #tpu.memory_space<hbm>>
      %dma_wait3A_60 = tpu.memref_squeeze %dma_wait3A_59 : memref<1x626x8xf32, #tpu.memory_space<hbm>> -> memref<626x8xf32, #tpu.memory_space<hbm>>
      %dma_wait3A_61 = arith.constant 0 : i32
      %dma_wait3A_62 = tpu.memref_slice %arg9[%mul3A_50, %dma_wait3A_61] : memref<10016x8xf32, #tpu.memory_space<vmem_shared>> -> memref<626x8xf32, #tpu.memory_space<vmem_shared>>
      tpu.wait_dma2 semaphore(%run_scoped3A_53 : memref<!tpu.dma_semaphore, #tpu.memory_space<semaphore_mem>>) src(%dma_wait3A_62 : memref<626x8xf32, #tpu.memory_space<vmem_shared>>) dst(%dma_wait3A_60 : memref<626x8xf32, #tpu.memory_space<hbm>>)
      tpu.yield
    }) : () -> ()
    return
  }
}

#map = affine_map<(d0, d1) -> (0, 0, 0, 0)>
#map1 = affine_map<(d0, d1) -> (0, 0, 0)>
#map2 = affine_map<(d0, d1) -> (0, 0)>
module attributes {stable_mosaic.version = 14 : i64} {
  func.func @_sc_agg1y_body(%arg0: i32, %arg1: i32, %arg2: memref<2x32x79x128xi32, #tpu.memory_space<hbm>>, %arg3: memref<2x10016x8xf32, #tpu.memory_space<hbm>>, %arg4: memref<10016x8xf32, #tpu.memory_space<hbm>>, %arg5: memref<10016x8xf32, #tpu.memory_space<hbm>>, %arg6: memref<2x10016x8xf32, #tpu.memory_space<hbm>>, %arg7: memref<10016x8xf32, #tpu.memory_space<hbm>>, %arg8: memref<10016x8xf32, #tpu.memory_space<hbm>>, %arg9: memref<79x128xi32, #tpu.memory_space<vmem>>, %arg10: memref<79x128xi32, #tpu.memory_space<vmem>>, %arg11: memref<6x128x8xf32, #tpu.memory_space<vmem>>, %arg12: memref<626x8xf32, #tpu.memory_space<vmem>>, %arg13: memref<626x8xf32, #tpu.memory_space<vmem>>, %arg14: memref<626x8xf32, #tpu.memory_space<vmem>>, %arg15: memref<626x8xf32, #tpu.memory_space<vmem>>, %arg16: memref<626x8xf32, #tpu.memory_space<vmem>>, %arg17: memref<10016x8xf32, #tpu.memory_space<vmem_shared>>, %arg18: memref<10016x8xf32, #tpu.memory_space<vmem_shared>>, %arg19: memref<!tpu.dma_semaphore, #tpu.memory_space<semaphore_mem>>, %arg20: memref<!tpu.dma_semaphore, #tpu.memory_space<semaphore_mem>>) attributes {dimension_semantics = [#tpu.dimension_semantics<core_parallel>, #tpu.dimension_semantics<subcore_parallel>], iteration_bounds = array<i64: 2, 16>, scalar_prefetch = 0 : i64, scratch_operands = 12 : i64, tpu.core_type = #tpu.core_type<sc_vector_subcore>, window_params = [{transform_indices = #map}, {transform_indices = #map1}, {transform_indices = #map2}, {transform_indices = #map2}, {transform_indices = #map1}, {transform_indices = #map2}, {transform_indices = #map2}]} {
    %mul3A = arith.constant 16 : i32
    %mul3A_0 = arith.muli %arg0, %mul3A : i32
    %add3A = arith.addi %mul3A_0, %arg1 : i32
    %mul3A_1 = arith.constant 626 : i32
    %mul3A_2 = arith.muli %arg1, %mul3A_1 : i32
    %mul3A_3 = arith.constant 626 : i32
    %mul3A_4 = arith.muli %arg1, %mul3A_3 : i32
    "tpu.region"() ({
      %run_scoped3A_122 = tpu.sem_alloc : memref<!tpu.dma_semaphore, #tpu.memory_space<semaphore_mem>>
      %dma_start3A_123 = arith.constant 0 : i32
      %dma_start3A_124 = tpu.memref_slice %arg17[%mul3A_4, %dma_start3A_123] : memref<10016x8xf32, #tpu.memory_space<vmem_shared>> -> memref<626x8xf32, #tpu.memory_space<vmem_shared>>
      %dma_start3A_125 = arith.constant 0 : i32
      %dma_start3A_126 = tpu.memref_slice %arg5[%mul3A_2, %dma_start3A_125] : memref<10016x8xf32, #tpu.memory_space<hbm>> -> memref<626x8xf32, #tpu.memory_space<hbm>>
      tpu.enqueue_dma source(%dma_start3A_126 : memref<626x8xf32, #tpu.memory_space<hbm>>) target(%dma_start3A_124 : memref<626x8xf32, #tpu.memory_space<vmem_shared>>) target_semaphore(%run_scoped3A_122 : memref<!tpu.dma_semaphore, #tpu.memory_space<semaphore_mem>>)
      %dma_wait3A_127 = arith.constant 0 : i32
      %dma_wait3A_128 = tpu.memref_slice %arg17[%mul3A_4, %dma_wait3A_127] : memref<10016x8xf32, #tpu.memory_space<vmem_shared>> -> memref<626x8xf32, #tpu.memory_space<vmem_shared>>
      %dma_wait3A_129 = arith.constant 0 : i32
      %dma_wait3A_130 = tpu.memref_slice %arg5[%mul3A_2, %dma_wait3A_129] : memref<10016x8xf32, #tpu.memory_space<hbm>> -> memref<626x8xf32, #tpu.memory_space<hbm>>
      tpu.wait_dma2 semaphore(%run_scoped3A_122 : memref<!tpu.dma_semaphore, #tpu.memory_space<semaphore_mem>>) src(%dma_wait3A_130 : memref<626x8xf32, #tpu.memory_space<hbm>>) dst(%dma_wait3A_128 : memref<626x8xf32, #tpu.memory_space<vmem_shared>>)
      tpu.yield
    }) : () -> ()
    %run_scoped3A = arith.constant 0 : i32
    "tpu.region"() ({
      %run_scoped3A_122 = tpu.sem_alloc : memref<!tpu.dma_semaphore, #tpu.memory_space<semaphore_mem>>
      %dma_start3A_123 = arith.constant 0 : i32
      %dma_start3A_124 = arith.constant 0 : i32
      %dma_start3A_125 = tpu.memref_slice %arg2[%run_scoped3A, %add3A, %dma_start3A_123, %dma_start3A_124] : memref<2x32x79x128xi32, #tpu.memory_space<hbm>> -> memref<1x1x79x128xi32, #tpu.memory_space<hbm>>
      %dma_start3A_126 = tpu.memref_squeeze %dma_start3A_125 : memref<1x1x79x128xi32, #tpu.memory_space<hbm>> -> memref<79x128xi32, #tpu.memory_space<hbm>>
      %dma_start3A_127 = arith.constant 0 : i32
      %dma_start3A_128 = arith.constant 0 : i32
      %dma_start3A_129 = tpu.memref_slice %arg2[%run_scoped3A, %add3A, %dma_start3A_127, %dma_start3A_128] : memref<2x32x79x128xi32, #tpu.memory_space<hbm>> -> memref<1x1x79x128xi32, #tpu.memory_space<hbm>>
      %dma_start3A_130 = tpu.memref_squeeze %dma_start3A_129 : memref<1x1x79x128xi32, #tpu.memory_space<hbm>> -> memref<79x128xi32, #tpu.memory_space<hbm>>
      tpu.enqueue_dma source(%dma_start3A_130 : memref<79x128xi32, #tpu.memory_space<hbm>>) target(%arg9 : memref<79x128xi32, #tpu.memory_space<vmem>>) target_semaphore(%run_scoped3A_122 : memref<!tpu.dma_semaphore, #tpu.memory_space<semaphore_mem>>)
      %dma_wait3A_131 = arith.constant 0 : i32
      %dma_wait3A_132 = arith.constant 0 : i32
      %dma_wait3A_133 = tpu.memref_slice %arg2[%run_scoped3A, %add3A, %dma_wait3A_131, %dma_wait3A_132] : memref<2x32x79x128xi32, #tpu.memory_space<hbm>> -> memref<1x1x79x128xi32, #tpu.memory_space<hbm>>
      %dma_wait3A_134 = tpu.memref_squeeze %dma_wait3A_133 : memref<1x1x79x128xi32, #tpu.memory_space<hbm>> -> memref<79x128xi32, #tpu.memory_space<hbm>>
      %dma_wait3A_135 = arith.constant 0 : i32
      %dma_wait3A_136 = arith.constant 0 : i32
      %dma_wait3A_137 = tpu.memref_slice %arg2[%run_scoped3A, %add3A, %dma_wait3A_135, %dma_wait3A_136] : memref<2x32x79x128xi32, #tpu.memory_space<hbm>> -> memref<1x1x79x128xi32, #tpu.memory_space<hbm>>
      %dma_wait3A_138 = tpu.memref_squeeze %dma_wait3A_137 : memref<1x1x79x128xi32, #tpu.memory_space<hbm>> -> memref<79x128xi32, #tpu.memory_space<hbm>>
      tpu.wait_dma2 semaphore(%run_scoped3A_122 : memref<!tpu.dma_semaphore, #tpu.memory_space<semaphore_mem>>) src(%dma_wait3A_138 : memref<79x128xi32, #tpu.memory_space<hbm>>) dst(%arg9 : memref<79x128xi32, #tpu.memory_space<vmem>>)
      tpu.yield
    }) : () -> ()
    %run_scoped3A_5 = arith.constant 1 : i32
    "tpu.region"() ({
      %run_scoped3A_122 = tpu.sem_alloc : memref<!tpu.dma_semaphore, #tpu.memory_space<semaphore_mem>>
      %dma_start3A_123 = arith.constant 0 : i32
      %dma_start3A_124 = arith.constant 0 : i32
      %dma_start3A_125 = tpu.memref_slice %arg2[%run_scoped3A_5, %add3A, %dma_start3A_123, %dma_start3A_124] : memref<2x32x79x128xi32, #tpu.memory_space<hbm>> -> memref<1x1x79x128xi32, #tpu.memory_space<hbm>>
      %dma_start3A_126 = tpu.memref_squeeze %dma_start3A_125 : memref<1x1x79x128xi32, #tpu.memory_space<hbm>> -> memref<79x128xi32, #tpu.memory_space<hbm>>
      %dma_start3A_127 = arith.constant 0 : i32
      %dma_start3A_128 = arith.constant 0 : i32
      %dma_start3A_129 = tpu.memref_slice %arg2[%run_scoped3A_5, %add3A, %dma_start3A_127, %dma_start3A_128] : memref<2x32x79x128xi32, #tpu.memory_space<hbm>> -> memref<1x1x79x128xi32, #tpu.memory_space<hbm>>
      %dma_start3A_130 = tpu.memref_squeeze %dma_start3A_129 : memref<1x1x79x128xi32, #tpu.memory_space<hbm>> -> memref<79x128xi32, #tpu.memory_space<hbm>>
      tpu.enqueue_dma source(%dma_start3A_130 : memref<79x128xi32, #tpu.memory_space<hbm>>) target(%arg10 : memref<79x128xi32, #tpu.memory_space<vmem>>) target_semaphore(%run_scoped3A_122 : memref<!tpu.dma_semaphore, #tpu.memory_space<semaphore_mem>>)
      %dma_wait3A_131 = arith.constant 0 : i32
      %dma_wait3A_132 = arith.constant 0 : i32
      %dma_wait3A_133 = tpu.memref_slice %arg2[%run_scoped3A_5, %add3A, %dma_wait3A_131, %dma_wait3A_132] : memref<2x32x79x128xi32, #tpu.memory_space<hbm>> -> memref<1x1x79x128xi32, #tpu.memory_space<hbm>>
      %dma_wait3A_134 = tpu.memref_squeeze %dma_wait3A_133 : memref<1x1x79x128xi32, #tpu.memory_space<hbm>> -> memref<79x128xi32, #tpu.memory_space<hbm>>
      %dma_wait3A_135 = arith.constant 0 : i32
      %dma_wait3A_136 = arith.constant 0 : i32
      %dma_wait3A_137 = tpu.memref_slice %arg2[%run_scoped3A_5, %add3A, %dma_wait3A_135, %dma_wait3A_136] : memref<2x32x79x128xi32, #tpu.memory_space<hbm>> -> memref<1x1x79x128xi32, #tpu.memory_space<hbm>>
      %dma_wait3A_138 = tpu.memref_squeeze %dma_wait3A_137 : memref<1x1x79x128xi32, #tpu.memory_space<hbm>> -> memref<79x128xi32, #tpu.memory_space<hbm>>
      tpu.wait_dma2 semaphore(%run_scoped3A_122 : memref<!tpu.dma_semaphore, #tpu.memory_space<semaphore_mem>>) src(%dma_wait3A_138 : memref<79x128xi32, #tpu.memory_space<hbm>>) dst(%arg10 : memref<79x128xi32, #tpu.memory_space<vmem>>)
      tpu.yield
    }) : () -> ()
    %mul3A_6 = arith.constant 626 : i32
    %mul3A_7 = arith.muli %arg1, %mul3A_6 : i32
    %run_scoped3A_8 = arith.constant 0 : i32
    "tpu.region"() ({
      %run_scoped3A_122 = tpu.sem_alloc : memref<!tpu.dma_semaphore, #tpu.memory_space<semaphore_mem>>
      %dma_start3A_123 = arith.constant 0 : i32
      %dma_start3A_124 = tpu.memref_slice %arg3[%run_scoped3A_8, %mul3A_7, %dma_start3A_123] : memref<2x10016x8xf32, #tpu.memory_space<hbm>> -> memref<1x626x8xf32, #tpu.memory_space<hbm>>
      %dma_start3A_125 = tpu.memref_squeeze %dma_start3A_124 : memref<1x626x8xf32, #tpu.memory_space<hbm>> -> memref<626x8xf32, #tpu.memory_space<hbm>>
      %dma_start3A_126 = arith.constant 0 : i32
      %dma_start3A_127 = tpu.memref_slice %arg3[%run_scoped3A_8, %mul3A_7, %dma_start3A_126] : memref<2x10016x8xf32, #tpu.memory_space<hbm>> -> memref<1x626x8xf32, #tpu.memory_space<hbm>>
      %dma_start3A_128 = tpu.memref_squeeze %dma_start3A_127 : memref<1x626x8xf32, #tpu.memory_space<hbm>> -> memref<626x8xf32, #tpu.memory_space<hbm>>
      tpu.enqueue_dma source(%dma_start3A_128 : memref<626x8xf32, #tpu.memory_space<hbm>>) target(%arg12 : memref<626x8xf32, #tpu.memory_space<vmem>>) target_semaphore(%run_scoped3A_122 : memref<!tpu.dma_semaphore, #tpu.memory_space<semaphore_mem>>)
      %dma_wait3A_129 = arith.constant 0 : i32
      %dma_wait3A_130 = tpu.memref_slice %arg3[%run_scoped3A_8, %mul3A_7, %dma_wait3A_129] : memref<2x10016x8xf32, #tpu.memory_space<hbm>> -> memref<1x626x8xf32, #tpu.memory_space<hbm>>
      %dma_wait3A_131 = tpu.memref_squeeze %dma_wait3A_130 : memref<1x626x8xf32, #tpu.memory_space<hbm>> -> memref<626x8xf32, #tpu.memory_space<hbm>>
      %dma_wait3A_132 = arith.constant 0 : i32
      %dma_wait3A_133 = tpu.memref_slice %arg3[%run_scoped3A_8, %mul3A_7, %dma_wait3A_132] : memref<2x10016x8xf32, #tpu.memory_space<hbm>> -> memref<1x626x8xf32, #tpu.memory_space<hbm>>
      %dma_wait3A_134 = tpu.memref_squeeze %dma_wait3A_133 : memref<1x626x8xf32, #tpu.memory_space<hbm>> -> memref<626x8xf32, #tpu.memory_space<hbm>>
      tpu.wait_dma2 semaphore(%run_scoped3A_122 : memref<!tpu.dma_semaphore, #tpu.memory_space<semaphore_mem>>) src(%dma_wait3A_134 : memref<626x8xf32, #tpu.memory_space<hbm>>) dst(%arg12 : memref<626x8xf32, #tpu.memory_space<vmem>>)
      tpu.yield
    }) : () -> ()
    %mul3A_9 = arith.constant 626 : i32
    %mul3A_10 = arith.muli %arg1, %mul3A_9 : i32
    %run_scoped3A_11 = arith.constant 1 : i32
    "tpu.region"() ({
      %run_scoped3A_122 = tpu.sem_alloc : memref<!tpu.dma_semaphore, #tpu.memory_space<semaphore_mem>>
      %dma_start3A_123 = arith.constant 0 : i32
      %dma_start3A_124 = tpu.memref_slice %arg3[%run_scoped3A_11, %mul3A_10, %dma_start3A_123] : memref<2x10016x8xf32, #tpu.memory_space<hbm>> -> memref<1x626x8xf32, #tpu.memory_space<hbm>>
      %dma_start3A_125 = tpu.memref_squeeze %dma_start3A_124 : memref<1x626x8xf32, #tpu.memory_space<hbm>> -> memref<626x8xf32, #tpu.memory_space<hbm>>
      %dma_start3A_126 = arith.constant 0 : i32
      %dma_start3A_127 = tpu.memref_slice %arg3[%run_scoped3A_11, %mul3A_10, %dma_start3A_126] : memref<2x10016x8xf32, #tpu.memory_space<hbm>> -> memref<1x626x8xf32, #tpu.memory_space<hbm>>
      %dma_start3A_128 = tpu.memref_squeeze %dma_start3A_127 : memref<1x626x8xf32, #tpu.memory_space<hbm>> -> memref<626x8xf32, #tpu.memory_space<hbm>>
      tpu.enqueue_dma source(%dma_start3A_128 : memref<626x8xf32, #tpu.memory_space<hbm>>) target(%arg13 : memref<626x8xf32, #tpu.memory_space<vmem>>) target_semaphore(%run_scoped3A_122 : memref<!tpu.dma_semaphore, #tpu.memory_space<semaphore_mem>>)
      %dma_wait3A_129 = arith.constant 0 : i32
      %dma_wait3A_130 = tpu.memref_slice %arg3[%run_scoped3A_11, %mul3A_10, %dma_wait3A_129] : memref<2x10016x8xf32, #tpu.memory_space<hbm>> -> memref<1x626x8xf32, #tpu.memory_space<hbm>>
      %dma_wait3A_131 = tpu.memref_squeeze %dma_wait3A_130 : memref<1x626x8xf32, #tpu.memory_space<hbm>> -> memref<626x8xf32, #tpu.memory_space<hbm>>
      %dma_wait3A_132 = arith.constant 0 : i32
      %dma_wait3A_133 = tpu.memref_slice %arg3[%run_scoped3A_11, %mul3A_10, %dma_wait3A_132] : memref<2x10016x8xf32, #tpu.memory_space<hbm>> -> memref<1x626x8xf32, #tpu.memory_space<hbm>>
      %dma_wait3A_134 = tpu.memref_squeeze %dma_wait3A_133 : memref<1x626x8xf32, #tpu.memory_space<hbm>> -> memref<626x8xf32, #tpu.memory_space<hbm>>
      tpu.wait_dma2 semaphore(%run_scoped3A_122 : memref<!tpu.dma_semaphore, #tpu.memory_space<semaphore_mem>>) src(%dma_wait3A_134 : memref<626x8xf32, #tpu.memory_space<hbm>>) dst(%arg13 : memref<626x8xf32, #tpu.memory_space<vmem>>)
      tpu.yield
    }) : () -> ()
    %mul3A_12 = arith.constant 626 : i32
    %mul3A_13 = arith.muli %arg1, %mul3A_12 : i32
    "tpu.region"() ({
      %run_scoped3A_122 = tpu.sem_alloc : memref<!tpu.dma_semaphore, #tpu.memory_space<semaphore_mem>>
      %dma_start3A_123 = arith.constant 0 : i32
      %dma_start3A_124 = tpu.memref_slice %arg4[%mul3A_13, %dma_start3A_123] : memref<10016x8xf32, #tpu.memory_space<hbm>> -> memref<626x8xf32, #tpu.memory_space<hbm>>
      %dma_start3A_125 = arith.constant 0 : i32
      %dma_start3A_126 = tpu.memref_slice %arg4[%mul3A_13, %dma_start3A_125] : memref<10016x8xf32, #tpu.memory_space<hbm>> -> memref<626x8xf32, #tpu.memory_space<hbm>>
      tpu.enqueue_dma source(%dma_start3A_126 : memref<626x8xf32, #tpu.memory_space<hbm>>) target(%arg14 : memref<626x8xf32, #tpu.memory_space<vmem>>) target_semaphore(%run_scoped3A_122 : memref<!tpu.dma_semaphore, #tpu.memory_space<semaphore_mem>>)
      %dma_wait3A_127 = arith.constant 0 : i32
      %dma_wait3A_128 = tpu.memref_slice %arg4[%mul3A_13, %dma_wait3A_127] : memref<10016x8xf32, #tpu.memory_space<hbm>> -> memref<626x8xf32, #tpu.memory_space<hbm>>
      %dma_wait3A_129 = arith.constant 0 : i32
      %dma_wait3A_130 = tpu.memref_slice %arg4[%mul3A_13, %dma_wait3A_129] : memref<10016x8xf32, #tpu.memory_space<hbm>> -> memref<626x8xf32, #tpu.memory_space<hbm>>
      tpu.wait_dma2 semaphore(%run_scoped3A_122 : memref<!tpu.dma_semaphore, #tpu.memory_space<semaphore_mem>>) src(%dma_wait3A_130 : memref<626x8xf32, #tpu.memory_space<hbm>>) dst(%arg14 : memref<626x8xf32, #tpu.memory_space<vmem>>)
      tpu.yield
    }) : () -> ()
    %iota3A = tpu.iota {dimensions = array<i32: 0>} : vector<16xi32>
    %and3A = arith.constant 7 : i32
    %and3A_14 = vector.broadcast %and3A : i32 to vector<16xi32>
    %and3A_15 = arith.andi %iota3A, %and3A_14 : vector<16xi32>
    %shift_right_logical3A = arith.constant 3 : i32
    %shift_right_logical3A_16 = vector.broadcast %shift_right_logical3A : i32 to vector<16xi32>
    %shift_right_logical3A_17 = arith.shrui %iota3A, %shift_right_logical3A_16 : vector<16xi32>
    %scan3A = arith.constant 0 : i32
    %scan3A_18 = arith.constant 0 : i32
    %scan3A_19 = arith.constant 313 : i32
    %scan3A_20 = arith.addi %scan3A_18, %scan3A_19 : i32
    %scan3A_21 = arith.constant 1 : i32
    %scan3A_22 = scf.for %scan3A_122 = %scan3A_18 to %scan3A_20 step %scan3A_21 iter_args(%scan3A_123 = %scan3A) -> (i32)  : i32 {
      %add3A_124 = vector.broadcast %scan3A_122 : i32 to vector<16xi32>
      %add3A_125 = arith.addi %shift_right_logical3A_17, %add3A_124 : vector<16xi32>
      %add3A_126 = vector.broadcast %scan3A_122 : i32 to vector<16xi32>
      %add3A_127 = arith.addi %add3A_125, %add3A_126 : vector<16xi32>
      %gather3A = tpu.vector_load_idx %arg12[%add3A_127, %and3A_15] : memref<626x8xf32, #tpu.memory_space<vmem>>[vector<16xi32>, vector<16xi32>], vector<16xf32>,
      %gather3A_128 = tpu.vector_load_idx %arg13[%add3A_127, %and3A_15] : memref<626x8xf32, #tpu.memory_space<vmem>>[vector<16xi32>, vector<16xi32>], vector<16xf32>,
      %gather3A_129 = tpu.vector_load_idx %arg14[%add3A_127, %and3A_15] : memref<626x8xf32, #tpu.memory_space<vmem>>[vector<16xi32>, vector<16xi32>], vector<16xf32>,
      %add3A_130 = arith.addf %gather3A, %gather3A_128 : vector<16xf32>
      %add3A_131 = arith.constant 1.000000e+00 : f32
      %add3A_132 = vector.broadcast %add3A_131 : f32 to vector<16xf32>
      %add3A_133 = arith.addf %add3A_130, %add3A_132 : vector<16xf32>
      %bitcast3A = vector.bitcast %add3A_133 : vector<16xf32> to vector<16xi32>
      %shift_right_logical3A_134 = arith.constant 1 : i32
      %shift_right_logical3A_135 = vector.broadcast %shift_right_logical3A_134 : i32 to vector<16xi32>
      %shift_right_logical3A_136 = arith.shrui %bitcast3A, %shift_right_logical3A_135 : vector<16xi32>
      %sub3A = arith.constant 1597463007 : i32
      %sub3A_137 = vector.broadcast %sub3A : i32 to vector<16xi32>
      %sub3A_138 = arith.subi %sub3A_137, %shift_right_logical3A_136 : vector<16xi32>
      %bitcast3A_139 = vector.bitcast %sub3A_138 : vector<16xi32> to vector<16xf32>
      %mul3A_140 = arith.constant 5.000000e-01 : f32
      %mul3A_141 = vector.broadcast %mul3A_140 : f32 to vector<16xf32>
      %mul3A_142 = arith.mulf %mul3A_141, %add3A_133 : vector<16xf32>
      %mul3A_143 = arith.mulf %mul3A_142, %bitcast3A_139 : vector<16xf32>
      %mul3A_144 = arith.mulf %mul3A_143, %bitcast3A_139 : vector<16xf32>
      %sub3A_145 = arith.constant 1.500000e+00 : f32
      %sub3A_146 = vector.broadcast %sub3A_145 : f32 to vector<16xf32>
      %sub3A_147 = arith.subf %sub3A_146, %mul3A_144 : vector<16xf32>
      %mul3A_148 = arith.mulf %bitcast3A_139, %sub3A_147 : vector<16xf32>
      %mul3A_149 = arith.mulf %mul3A_142, %mul3A_148 : vector<16xf32>
      %mul3A_150 = arith.mulf %mul3A_149, %mul3A_148 : vector<16xf32>
      %sub3A_151 = arith.constant 1.500000e+00 : f32
      %sub3A_152 = vector.broadcast %sub3A_151 : f32 to vector<16xf32>
      %sub3A_153 = arith.subf %sub3A_152, %mul3A_150 : vector<16xf32>
      %mul3A_154 = arith.mulf %mul3A_148, %sub3A_153 : vector<16xf32>
      %mul3A_155 = arith.mulf %mul3A_142, %mul3A_154 : vector<16xf32>
      %mul3A_156 = arith.mulf %mul3A_155, %mul3A_154 : vector<16xf32>
      %sub3A_157 = arith.constant 1.500000e+00 : f32
      %sub3A_158 = vector.broadcast %sub3A_157 : f32 to vector<16xf32>
      %sub3A_159 = arith.subf %sub3A_158, %mul3A_156 : vector<16xf32>
      %mul3A_160 = arith.mulf %mul3A_154, %sub3A_159 : vector<16xf32>
      %mul3A_161 = arith.mulf %mul3A_142, %mul3A_160 : vector<16xf32>
      %mul3A_162 = arith.mulf %mul3A_161, %mul3A_160 : vector<16xf32>
      %sub3A_163 = arith.constant 1.500000e+00 : f32
      %sub3A_164 = vector.broadcast %sub3A_163 : f32 to vector<16xf32>
      %sub3A_165 = arith.subf %sub3A_164, %mul3A_162 : vector<16xf32>
      %mul3A_166 = arith.mulf %mul3A_160, %sub3A_165 : vector<16xf32>
      tpu.vector_store_idx %arg16[%add3A_127, %and3A_15], %mul3A_166 : memref<626x8xf32, #tpu.memory_space<vmem>>[vector<16xi32>, vector<16xi32>], vector<16xf32>,
      %mul3A_167 = arith.mulf %mul3A_166, %gather3A_129 : vector<16xf32>
      tpu.vector_store_idx %arg15[%add3A_127, %and3A_15], %mul3A_167 : memref<626x8xf32, #tpu.memory_space<vmem>>[vector<16xi32>, vector<16xi32>], vector<16xf32>,
      %scan3A_168 = arith.constant 0 : i32
      scf.yield %scan3A_168 : i32
    }
    %scan3A_23 = arith.constant 313 : i32
    %mul3A_24 = arith.constant 626 : i32
    %mul3A_25 = arith.muli %arg1, %mul3A_24 : i32
    "tpu.region"() ({
      %run_scoped3A_122 = tpu.sem_alloc : memref<!tpu.dma_semaphore, #tpu.memory_space<semaphore_mem>>
      %dma_start3A_123 = arith.constant 0 : i32
      %dma_start3A_124 = tpu.memref_slice %arg18[%mul3A_25, %dma_start3A_123] : memref<10016x8xf32, #tpu.memory_space<vmem_shared>> -> memref<626x8xf32, #tpu.memory_space<vmem_shared>>
      %dma_start3A_125 = arith.constant 0 : i32
      %dma_start3A_126 = tpu.memref_slice %arg18[%mul3A_25, %dma_start3A_125] : memref<10016x8xf32, #tpu.memory_space<vmem_shared>> -> memref<626x8xf32, #tpu.memory_space<vmem_shared>>
      tpu.enqueue_dma source(%arg15 : memref<626x8xf32, #tpu.memory_space<vmem>>) target(%dma_start3A_126 : memref<626x8xf32, #tpu.memory_space<vmem_shared>>) target_semaphore(%run_scoped3A_122 : memref<!tpu.dma_semaphore, #tpu.memory_space<semaphore_mem>>)
      %dma_wait3A_127 = arith.constant 0 : i32
      %dma_wait3A_128 = tpu.memref_slice %arg18[%mul3A_25, %dma_wait3A_127] : memref<10016x8xf32, #tpu.memory_space<vmem_shared>> -> memref<626x8xf32, #tpu.memory_space<vmem_shared>>
      %dma_wait3A_129 = arith.constant 0 : i32
      %dma_wait3A_130 = tpu.memref_slice %arg18[%mul3A_25, %dma_wait3A_129] : memref<10016x8xf32, #tpu.memory_space<vmem_shared>> -> memref<626x8xf32, #tpu.memory_space<vmem_shared>>
      tpu.wait_dma2 semaphore(%run_scoped3A_122 : memref<!tpu.dma_semaphore, #tpu.memory_space<semaphore_mem>>) src(%arg15 : memref<626x8xf32, #tpu.memory_space<vmem>>) dst(%dma_wait3A_130 : memref<626x8xf32, #tpu.memory_space<vmem_shared>>)
      tpu.yield
    }) : () -> ()
    %mul3A_26 = arith.constant 313 : i32
    %mul3A_27 = arith.muli %arg0, %mul3A_26 : i32
    %mul3A_28 = arith.constant 626 : i32
    %mul3A_29 = arith.muli %arg1, %mul3A_28 : i32
    %mul3A_30 = arith.constant 313 : i32
    %mul3A_31 = arith.muli %arg0, %mul3A_30 : i32
    %add3A_32 = arith.addi %mul3A_29, %mul3A_31 : i32
    "tpu.region"() ({
      %run_scoped3A_122 = tpu.sem_alloc : memref<!tpu.dma_semaphore, #tpu.memory_space<semaphore_mem>>
      %dma_start3A_123 = arith.constant 0 : i32
      %dma_start3A_124 = tpu.memref_slice %arg15[%mul3A_27, %dma_start3A_123] : memref<626x8xf32, #tpu.memory_space<vmem>> -> memref<313x8xf32, #tpu.memory_space<vmem>>
      %dma_start3A_125 = arith.constant 0 : i32
      %dma_start3A_126 = tpu.memref_slice %arg7[%add3A_32, %dma_start3A_125] : memref<10016x8xf32, #tpu.memory_space<hbm>> -> memref<313x8xf32, #tpu.memory_space<hbm>>
      %dma_start3A_127 = arith.constant 0 : i32
      %dma_start3A_128 = tpu.memref_slice %arg7[%add3A_32, %dma_start3A_127] : memref<10016x8xf32, #tpu.memory_space<hbm>> -> memref<313x8xf32, #tpu.memory_space<hbm>>
      %dma_start3A_129 = arith.constant 0 : i32
      %dma_start3A_130 = tpu.memref_slice %arg15[%mul3A_27, %dma_start3A_129] : memref<626x8xf32, #tpu.memory_space<vmem>> -> memref<313x8xf32, #tpu.memory_space<vmem>>
      tpu.enqueue_dma source(%dma_start3A_130 : memref<313x8xf32, #tpu.memory_space<vmem>>) target(%dma_start3A_128 : memref<313x8xf32, #tpu.memory_space<hbm>>) target_semaphore(%run_scoped3A_122 : memref<!tpu.dma_semaphore, #tpu.memory_space<semaphore_mem>>)
      %dma_wait3A_131 = arith.constant 0 : i32
      %dma_wait3A_132 = tpu.memref_slice %arg15[%mul3A_27, %dma_wait3A_131] : memref<626x8xf32, #tpu.memory_space<vmem>> -> memref<313x8xf32, #tpu.memory_space<vmem>>
      %dma_wait3A_133 = arith.constant 0 : i32
      %dma_wait3A_134 = tpu.memref_slice %arg7[%add3A_32, %dma_wait3A_133] : memref<10016x8xf32, #tpu.memory_space<hbm>> -> memref<313x8xf32, #tpu.memory_space<hbm>>
      %dma_wait3A_135 = arith.constant 0 : i32
      %dma_wait3A_136 = tpu.memref_slice %arg7[%add3A_32, %dma_wait3A_135] : memref<10016x8xf32, #tpu.memory_space<hbm>> -> memref<313x8xf32, #tpu.memory_space<hbm>>
      %dma_wait3A_137 = arith.constant 0 : i32
      %dma_wait3A_138 = tpu.memref_slice %arg15[%mul3A_27, %dma_wait3A_137] : memref<626x8xf32, #tpu.memory_space<vmem>> -> memref<313x8xf32, #tpu.memory_space<vmem>>
      tpu.wait_dma2 semaphore(%run_scoped3A_122 : memref<!tpu.dma_semaphore, #tpu.memory_space<semaphore_mem>>) src(%dma_wait3A_138 : memref<313x8xf32, #tpu.memory_space<vmem>>) dst(%dma_wait3A_136 : memref<313x8xf32, #tpu.memory_space<hbm>>)
      tpu.yield
    }) : () -> ()
    %mul3A_33 = arith.constant 313 : i32
    %mul3A_34 = arith.muli %arg0, %mul3A_33 : i32
    %mul3A_35 = arith.constant 626 : i32
    %mul3A_36 = arith.muli %arg1, %mul3A_35 : i32
    %mul3A_37 = arith.constant 313 : i32
    %mul3A_38 = arith.muli %arg0, %mul3A_37 : i32
    %add3A_39 = arith.addi %mul3A_36, %mul3A_38 : i32
    "tpu.region"() ({
      %run_scoped3A_122 = tpu.sem_alloc : memref<!tpu.dma_semaphore, #tpu.memory_space<semaphore_mem>>
      %dma_start3A_123 = arith.constant 0 : i32
      %dma_start3A_124 = tpu.memref_slice %arg16[%mul3A_34, %dma_start3A_123] : memref<626x8xf32, #tpu.memory_space<vmem>> -> memref<313x8xf32, #tpu.memory_space<vmem>>
      %dma_start3A_125 = arith.constant 0 : i32
      %dma_start3A_126 = tpu.memref_slice %arg8[%add3A_39, %dma_start3A_125] : memref<10016x8xf32, #tpu.memory_space<hbm>> -> memref<313x8xf32, #tpu.memory_space<hbm>>
      %dma_start3A_127 = arith.constant 0 : i32
      %dma_start3A_128 = tpu.memref_slice %arg8[%add3A_39, %dma_start3A_127] : memref<10016x8xf32, #tpu.memory_space<hbm>> -> memref<313x8xf32, #tpu.memory_space<hbm>>
      %dma_start3A_129 = arith.constant 0 : i32
      %dma_start3A_130 = tpu.memref_slice %arg16[%mul3A_34, %dma_start3A_129] : memref<626x8xf32, #tpu.memory_space<vmem>> -> memref<313x8xf32, #tpu.memory_space<vmem>>
      tpu.enqueue_dma source(%dma_start3A_130 : memref<313x8xf32, #tpu.memory_space<vmem>>) target(%dma_start3A_128 : memref<313x8xf32, #tpu.memory_space<hbm>>) target_semaphore(%run_scoped3A_122 : memref<!tpu.dma_semaphore, #tpu.memory_space<semaphore_mem>>)
      %dma_wait3A_131 = arith.constant 0 : i32
      %dma_wait3A_132 = tpu.memref_slice %arg16[%mul3A_34, %dma_wait3A_131] : memref<626x8xf32, #tpu.memory_space<vmem>> -> memref<313x8xf32, #tpu.memory_space<vmem>>
      %dma_wait3A_133 = arith.constant 0 : i32
      %dma_wait3A_134 = tpu.memref_slice %arg8[%add3A_39, %dma_wait3A_133] : memref<10016x8xf32, #tpu.memory_space<hbm>> -> memref<313x8xf32, #tpu.memory_space<hbm>>
      %dma_wait3A_135 = arith.constant 0 : i32
      %dma_wait3A_136 = tpu.memref_slice %arg8[%add3A_39, %dma_wait3A_135] : memref<10016x8xf32, #tpu.memory_space<hbm>> -> memref<313x8xf32, #tpu.memory_space<hbm>>
      %dma_wait3A_137 = arith.constant 0 : i32
      %dma_wait3A_138 = tpu.memref_slice %arg16[%mul3A_34, %dma_wait3A_137] : memref<626x8xf32, #tpu.memory_space<vmem>> -> memref<313x8xf32, #tpu.memory_space<vmem>>
      tpu.wait_dma2 semaphore(%run_scoped3A_122 : memref<!tpu.dma_semaphore, #tpu.memory_space<semaphore_mem>>) src(%dma_wait3A_138 : memref<313x8xf32, #tpu.memory_space<vmem>>) dst(%dma_wait3A_136 : memref<313x8xf32, #tpu.memory_space<hbm>>)
      tpu.yield
    }) : () -> ()
    %barrier3A = arith.constant 0 : index
    tpu.barrier barrier_id(%barrier3A)
    %dma_start3A = arith.constant 0 : i32
    %dma_start3A_40 = arith.constant 0 : i32
    %dma_start3A_41 = arith.constant 0 : i32
    %dma_start3A_42 = arith.constant 0 : i32
    %dma_start3A_43 = tpu.memref_slice %arg11[%dma_start3A_40, %dma_start3A_41, %dma_start3A_42] : memref<6x128x8xf32, #tpu.memory_space<vmem>> -> memref<1x128x8xf32, #tpu.memory_space<vmem>>
    %dma_start3A_44 = tpu.memref_squeeze %dma_start3A_43 : memref<1x128x8xf32, #tpu.memory_space<vmem>> -> memref<128x8xf32, #tpu.memory_space<vmem>>
    %dma_start3A_45 = arith.constant 0 : i32
    %dma_start3A_46 = tpu.memref_slice %arg9[%dma_start3A, %dma_start3A_45] : memref<79x128xi32, #tpu.memory_space<vmem>> -> memref<1x128xi32, #tpu.memory_space<vmem>>
    %dma_start3A_47 = tpu.memref_squeeze %dma_start3A_46 : memref<1x128xi32, #tpu.memory_space<vmem>> -> memref<128xi32, #tpu.memory_space<vmem>>
    %dma_start3A_48 = arith.constant 0 : i32
    %dma_start3A_49 = arith.constant 0 : i32
    %dma_start3A_50 = tpu.memref_slice %arg18[%dma_start3A_48, %dma_start3A_49] : memref<10016x8xf32, #tpu.memory_space<vmem_shared>> -> memref<10016x8xf32, #tpu.memory_space<vmem_shared>>
    tpu.enqueue_indirect_dma source(%dma_start3A_50 : memref<10016x8xf32, #tpu.memory_space<vmem_shared>>) target(%dma_start3A_44 : memref<128x8xf32, #tpu.memory_space<vmem>>) offsets(%dma_start3A_47 : memref<128xi32, #tpu.memory_space<vmem>>) semaphore(%arg19 : memref<!tpu.dma_semaphore, #tpu.memory_space<semaphore_mem>>)
    %dma_start3A_51 = arith.constant 1 : i32
    %dma_start3A_52 = arith.constant 1 : i32
    %dma_start3A_53 = arith.constant 0 : i32
    %dma_start3A_54 = arith.constant 0 : i32
    %dma_start3A_55 = tpu.memref_slice %arg11[%dma_start3A_52, %dma_start3A_53, %dma_start3A_54] : memref<6x128x8xf32, #tpu.memory_space<vmem>> -> memref<1x128x8xf32, #tpu.memory_space<vmem>>
    %dma_start3A_56 = tpu.memref_squeeze %dma_start3A_55 : memref<1x128x8xf32, #tpu.memory_space<vmem>> -> memref<128x8xf32, #tpu.memory_space<vmem>>
    %dma_start3A_57 = arith.constant 0 : i32
    %dma_start3A_58 = tpu.memref_slice %arg9[%dma_start3A_51, %dma_start3A_57] : memref<79x128xi32, #tpu.memory_space<vmem>> -> memref<1x128xi32, #tpu.memory_space<vmem>>
    %dma_start3A_59 = tpu.memref_squeeze %dma_start3A_58 : memref<1x128xi32, #tpu.memory_space<vmem>> -> memref<128xi32, #tpu.memory_space<vmem>>
    %dma_start3A_60 = arith.constant 0 : i32
    %dma_start3A_61 = arith.constant 0 : i32
    %dma_start3A_62 = tpu.memref_slice %arg18[%dma_start3A_60, %dma_start3A_61] : memref<10016x8xf32, #tpu.memory_space<vmem_shared>> -> memref<10016x8xf32, #tpu.memory_space<vmem_shared>>
    tpu.enqueue_indirect_dma source(%dma_start3A_62 : memref<10016x8xf32, #tpu.memory_space<vmem_shared>>) target(%dma_start3A_56 : memref<128x8xf32, #tpu.memory_space<vmem>>) offsets(%dma_start3A_59 : memref<128xi32, #tpu.memory_space<vmem>>) semaphore(%arg19 : memref<!tpu.dma_semaphore, #tpu.memory_space<semaphore_mem>>)
    %dma_start3A_63 = arith.constant 2 : i32
    %dma_start3A_64 = arith.constant 2 : i32
    %dma_start3A_65 = arith.constant 0 : i32
    %dma_start3A_66 = arith.constant 0 : i32
    %dma_start3A_67 = tpu.memref_slice %arg11[%dma_start3A_64, %dma_start3A_65, %dma_start3A_66] : memref<6x128x8xf32, #tpu.memory_space<vmem>> -> memref<1x128x8xf32, #tpu.memory_space<vmem>>
    %dma_start3A_68 = tpu.memref_squeeze %dma_start3A_67 : memref<1x128x8xf32, #tpu.memory_space<vmem>> -> memref<128x8xf32, #tpu.memory_space<vmem>>
    %dma_start3A_69 = arith.constant 0 : i32
    %dma_start3A_70 = tpu.memref_slice %arg9[%dma_start3A_63, %dma_start3A_69] : memref<79x128xi32, #tpu.memory_space<vmem>> -> memref<1x128xi32, #tpu.memory_space<vmem>>
    %dma_start3A_71 = tpu.memref_squeeze %dma_start3A_70 : memref<1x128xi32, #tpu.memory_space<vmem>> -> memref<128xi32, #tpu.memory_space<vmem>>
    %dma_start3A_72 = arith.constant 0 : i32
    %dma_start3A_73 = arith.constant 0 : i32
    %dma_start3A_74 = tpu.memref_slice %arg18[%dma_start3A_72, %dma_start3A_73] : memref<10016x8xf32, #tpu.memory_space<vmem_shared>> -> memref<10016x8xf32, #tpu.memory_space<vmem_shared>>
    tpu.enqueue_indirect_dma source(%dma_start3A_74 : memref<10016x8xf32, #tpu.memory_space<vmem_shared>>) target(%dma_start3A_68 : memref<128x8xf32, #tpu.memory_space<vmem>>) offsets(%dma_start3A_71 : memref<128xi32, #tpu.memory_space<vmem>>) semaphore(%arg19 : memref<!tpu.dma_semaphore, #tpu.memory_space<semaphore_mem>>)
    %scan3A_75 = arith.constant 0 : i32
    %scan3A_76 = arith.constant 0 : i32
    %scan3A_77 = arith.constant 79 : i32
    %scan3A_78 = arith.addi %scan3A_76, %scan3A_77 : i32
    %scan3A_79 = arith.constant 1 : i32
    %scan3A_80 = scf.for %scan3A_122 = %scan3A_76 to %scan3A_78 step %scan3A_79 iter_args(%scan3A_123 = %scan3A_75) -> (i32)  : i32 {
      %rem3A = arith.constant 6 : i32
      %rem3A_124 = arith.remsi %scan3A_122, %rem3A : i32
      %dma_wait3A_125 = arith.constant 0 : i32
      %dma_wait3A_126 = arith.constant 0 : i32
      %dma_wait3A_127 = tpu.memref_slice %arg11[%rem3A_124, %dma_wait3A_125, %dma_wait3A_126] : memref<6x128x8xf32, #tpu.memory_space<vmem>> -> memref<1x128x8xf32, #tpu.memory_space<vmem>>
      %dma_wait3A_128 = tpu.memref_squeeze %dma_wait3A_127 : memref<1x128x8xf32, #tpu.memory_space<vmem>> -> memref<128x8xf32, #tpu.memory_space<vmem>>
      %dma_wait3A_129 = arith.constant 0 : i32
      %dma_wait3A_130 = tpu.memref_slice %arg9[%scan3A_122, %dma_wait3A_129] : memref<79x128xi32, #tpu.memory_space<vmem>> -> memref<1x128xi32, #tpu.memory_space<vmem>>
      %dma_wait3A_131 = tpu.memref_squeeze %dma_wait3A_130 : memref<1x128xi32, #tpu.memory_space<vmem>> -> memref<128xi32, #tpu.memory_space<vmem>>
      %dma_wait3A_132 = arith.constant 0 : i32
      %dma_wait3A_133 = arith.constant 0 : i32
      %dma_wait3A_134 = tpu.memref_slice %arg18[%dma_wait3A_132, %dma_wait3A_133] : memref<10016x8xf32, #tpu.memory_space<vmem_shared>> -> memref<10016x8xf32, #tpu.memory_space<vmem_shared>>
      tpu.wait_indirect_dma semaphore(%arg19 : memref<!tpu.dma_semaphore, #tpu.memory_space<semaphore_mem>>) src(%dma_wait3A_134 : memref<10016x8xf32, #tpu.memory_space<vmem_shared>>) dst(%dma_wait3A_128 : memref<128x8xf32, #tpu.memory_space<vmem>>)
      %dma_start3A_135 = arith.constant 0 : i32
      %dma_start3A_136 = arith.constant 0 : i32
      %dma_start3A_137 = tpu.memref_slice %arg11[%rem3A_124, %dma_start3A_135, %dma_start3A_136] : memref<6x128x8xf32, #tpu.memory_space<vmem>> -> memref<1x128x8xf32, #tpu.memory_space<vmem>>
      %dma_start3A_138 = tpu.memref_squeeze %dma_start3A_137 : memref<1x128x8xf32, #tpu.memory_space<vmem>> -> memref<128x8xf32, #tpu.memory_space<vmem>>
      %dma_start3A_139 = arith.constant 0 : i32
      %dma_start3A_140 = tpu.memref_slice %arg10[%scan3A_122, %dma_start3A_139] : memref<79x128xi32, #tpu.memory_space<vmem>> -> memref<1x128xi32, #tpu.memory_space<vmem>>
      %dma_start3A_141 = tpu.memref_squeeze %dma_start3A_140 : memref<1x128xi32, #tpu.memory_space<vmem>> -> memref<128xi32, #tpu.memory_space<vmem>>
      %dma_start3A_142 = arith.constant 0 : i32
      %dma_start3A_143 = arith.constant 0 : i32
      %dma_start3A_144 = tpu.memref_slice %arg17[%dma_start3A_142, %dma_start3A_143] : memref<10016x8xf32, #tpu.memory_space<vmem_shared>> -> memref<10016x8xf32, #tpu.memory_space<vmem_shared>>
      tpu.enqueue_indirect_dma source(%dma_start3A_138 : memref<128x8xf32, #tpu.memory_space<vmem>>) target(%dma_start3A_144 : memref<10016x8xf32, #tpu.memory_space<vmem_shared>>) offsets(%dma_start3A_141 : memref<128xi32, #tpu.memory_space<vmem>>) semaphore(%arg20 : memref<!tpu.dma_semaphore, #tpu.memory_space<semaphore_mem>>) {add = true}
      %ge3A = arith.constant 3 : i32
      %ge3A_145 = arith.cmpi sge, %scan3A_122, %ge3A : i32
      %convert_element_type3A = arith.extui %ge3A_145 : i1 to i32
      %cond3A = arith.constant 0 : i32
      %cond3A_146 = arith.cmpi ne, %convert_element_type3A, %cond3A : i32
      scf.if %cond3A_146 {
        %sub3A = arith.constant 3 : i32
        %sub3A_154 = arith.subi %scan3A_122, %sub3A : i32
        %rem3A_155 = arith.constant 6 : i32
        %rem3A_156 = arith.remsi %sub3A_154, %rem3A_155 : i32
        %sub3A_157 = arith.constant 3 : i32
        %sub3A_158 = arith.subi %scan3A_122, %sub3A_157 : i32
        %dma_wait3A_159 = arith.constant 0 : i32
        %dma_wait3A_160 = arith.constant 0 : i32
        %dma_wait3A_161 = tpu.memref_slice %arg11[%rem3A_156, %dma_wait3A_159, %dma_wait3A_160] : memref<6x128x8xf32, #tpu.memory_space<vmem>> -> memref<1x128x8xf32, #tpu.memory_space<vmem>>
        %dma_wait3A_162 = tpu.memref_squeeze %dma_wait3A_161 : memref<1x128x8xf32, #tpu.memory_space<vmem>> -> memref<128x8xf32, #tpu.memory_space<vmem>>
        %dma_wait3A_163 = arith.constant 0 : i32
        %dma_wait3A_164 = tpu.memref_slice %arg10[%sub3A_158, %dma_wait3A_163] : memref<79x128xi32, #tpu.memory_space<vmem>> -> memref<1x128xi32, #tpu.memory_space<vmem>>
        %dma_wait3A_165 = tpu.memref_squeeze %dma_wait3A_164 : memref<1x128xi32, #tpu.memory_space<vmem>> -> memref<128xi32, #tpu.memory_space<vmem>>
        %dma_wait3A_166 = arith.constant 0 : i32
        %dma_wait3A_167 = arith.constant 0 : i32
        %dma_wait3A_168 = tpu.memref_slice %arg17[%dma_wait3A_166, %dma_wait3A_167] : memref<10016x8xf32, #tpu.memory_space<vmem_shared>> -> memref<10016x8xf32, #tpu.memory_space<vmem_shared>>
        tpu.wait_indirect_dma semaphore(%arg20 : memref<!tpu.dma_semaphore, #tpu.memory_space<semaphore_mem>>) src(%dma_wait3A_162 : memref<128x8xf32, #tpu.memory_space<vmem>>) dst(%dma_wait3A_168 : memref<10016x8xf32, #tpu.memory_space<vmem_shared>>)
      } else {
      }
      %add3A_147 = arith.constant 3 : i32
      %add3A_148 = arith.addi %scan3A_122, %add3A_147 : i32
      %lt3A = arith.constant 79 : i32
      %lt3A_149 = arith.cmpi slt, %add3A_148, %lt3A : i32
      %convert_element_type3A_150 = arith.extui %lt3A_149 : i1 to i32
      %cond3A_151 = arith.constant 0 : i32
      %cond3A_152 = arith.cmpi ne, %convert_element_type3A_150, %cond3A_151 : i32
      scf.if %cond3A_152 {
        %add3A_154 = arith.constant 3 : i32
        %add3A_155 = arith.addi %scan3A_122, %add3A_154 : i32
        %rem3A_156 = arith.constant 6 : i32
        %rem3A_157 = arith.remsi %add3A_155, %rem3A_156 : i32
        %add3A_158 = arith.constant 3 : i32
        %add3A_159 = arith.addi %scan3A_122, %add3A_158 : i32
        %dma_start3A_160 = arith.constant 0 : i32
        %dma_start3A_161 = arith.constant 0 : i32
        %dma_start3A_162 = tpu.memref_slice %arg11[%rem3A_157, %dma_start3A_160, %dma_start3A_161] : memref<6x128x8xf32, #tpu.memory_space<vmem>> -> memref<1x128x8xf32, #tpu.memory_space<vmem>>
        %dma_start3A_163 = tpu.memref_squeeze %dma_start3A_162 : memref<1x128x8xf32, #tpu.memory_space<vmem>> -> memref<128x8xf32, #tpu.memory_space<vmem>>
        %dma_start3A_164 = arith.constant 0 : i32
        %dma_start3A_165 = tpu.memref_slice %arg9[%add3A_159, %dma_start3A_164] : memref<79x128xi32, #tpu.memory_space<vmem>> -> memref<1x128xi32, #tpu.memory_space<vmem>>
        %dma_start3A_166 = tpu.memref_squeeze %dma_start3A_165 : memref<1x128xi32, #tpu.memory_space<vmem>> -> memref<128xi32, #tpu.memory_space<vmem>>
        %dma_start3A_167 = arith.constant 0 : i32
        %dma_start3A_168 = arith.constant 0 : i32
        %dma_start3A_169 = tpu.memref_slice %arg18[%dma_start3A_167, %dma_start3A_168] : memref<10016x8xf32, #tpu.memory_space<vmem_shared>> -> memref<10016x8xf32, #tpu.memory_space<vmem_shared>>
        tpu.enqueue_indirect_dma source(%dma_start3A_169 : memref<10016x8xf32, #tpu.memory_space<vmem_shared>>) target(%dma_start3A_163 : memref<128x8xf32, #tpu.memory_space<vmem>>) offsets(%dma_start3A_166 : memref<128xi32, #tpu.memory_space<vmem>>) semaphore(%arg19 : memref<!tpu.dma_semaphore, #tpu.memory_space<semaphore_mem>>)
      } else {
      }
      %scan3A_153 = arith.constant 0 : i32
      scf.yield %scan3A_153 : i32
    }
    %scan3A_81 = arith.constant 79 : i32
    %dma_wait3A = arith.constant 4 : i32
    %dma_wait3A_82 = arith.constant 76 : i32
    %dma_wait3A_83 = arith.constant 0 : i32
    %dma_wait3A_84 = arith.constant 0 : i32
    %dma_wait3A_85 = tpu.memref_slice %arg11[%dma_wait3A, %dma_wait3A_83, %dma_wait3A_84] : memref<6x128x8xf32, #tpu.memory_space<vmem>> -> memref<1x128x8xf32, #tpu.memory_space<vmem>>
    %dma_wait3A_86 = tpu.memref_squeeze %dma_wait3A_85 : memref<1x128x8xf32, #tpu.memory_space<vmem>> -> memref<128x8xf32, #tpu.memory_space<vmem>>
    %dma_wait3A_87 = arith.constant 0 : i32
    %dma_wait3A_88 = tpu.memref_slice %arg10[%dma_wait3A_82, %dma_wait3A_87] : memref<79x128xi32, #tpu.memory_space<vmem>> -> memref<1x128xi32, #tpu.memory_space<vmem>>
    %dma_wait3A_89 = tpu.memref_squeeze %dma_wait3A_88 : memref<1x128xi32, #tpu.memory_space<vmem>> -> memref<128xi32, #tpu.memory_space<vmem>>
    %dma_wait3A_90 = arith.constant 0 : i32
    %dma_wait3A_91 = arith.constant 0 : i32
    %dma_wait3A_92 = tpu.memref_slice %arg17[%dma_wait3A_90, %dma_wait3A_91] : memref<10016x8xf32, #tpu.memory_space<vmem_shared>> -> memref<10016x8xf32, #tpu.memory_space<vmem_shared>>
    tpu.wait_indirect_dma semaphore(%arg20 : memref<!tpu.dma_semaphore, #tpu.memory_space<semaphore_mem>>) src(%dma_wait3A_86 : memref<128x8xf32, #tpu.memory_space<vmem>>) dst(%dma_wait3A_92 : memref<10016x8xf32, #tpu.memory_space<vmem_shared>>)
    %dma_wait3A_93 = arith.constant 5 : i32
    %dma_wait3A_94 = arith.constant 77 : i32
    %dma_wait3A_95 = arith.constant 0 : i32
    %dma_wait3A_96 = arith.constant 0 : i32
    %dma_wait3A_97 = tpu.memref_slice %arg11[%dma_wait3A_93, %dma_wait3A_95, %dma_wait3A_96] : memref<6x128x8xf32, #tpu.memory_space<vmem>> -> memref<1x128x8xf32, #tpu.memory_space<vmem>>
    %dma_wait3A_98 = tpu.memref_squeeze %dma_wait3A_97 : memref<1x128x8xf32, #tpu.memory_space<vmem>> -> memref<128x8xf32, #tpu.memory_space<vmem>>
    %dma_wait3A_99 = arith.constant 0 : i32
    %dma_wait3A_100 = tpu.memref_slice %arg10[%dma_wait3A_94, %dma_wait3A_99] : memref<79x128xi32, #tpu.memory_space<vmem>> -> memref<1x128xi32, #tpu.memory_space<vmem>>
    %dma_wait3A_101 = tpu.memref_squeeze %dma_wait3A_100 : memref<1x128xi32, #tpu.memory_space<vmem>> -> memref<128xi32, #tpu.memory_space<vmem>>
    %dma_wait3A_102 = arith.constant 0 : i32
    %dma_wait3A_103 = arith.constant 0 : i32
    %dma_wait3A_104 = tpu.memref_slice %arg17[%dma_wait3A_102, %dma_wait3A_103] : memref<10016x8xf32, #tpu.memory_space<vmem_shared>> -> memref<10016x8xf32, #tpu.memory_space<vmem_shared>>
    tpu.wait_indirect_dma semaphore(%arg20 : memref<!tpu.dma_semaphore, #tpu.memory_space<semaphore_mem>>) src(%dma_wait3A_98 : memref<128x8xf32, #tpu.memory_space<vmem>>) dst(%dma_wait3A_104 : memref<10016x8xf32, #tpu.memory_space<vmem_shared>>)
    %dma_wait3A_105 = arith.constant 0 : i32
    %dma_wait3A_106 = arith.constant 78 : i32
    %dma_wait3A_107 = arith.constant 0 : i32
    %dma_wait3A_108 = arith.constant 0 : i32
    %dma_wait3A_109 = tpu.memref_slice %arg11[%dma_wait3A_105, %dma_wait3A_107, %dma_wait3A_108] : memref<6x128x8xf32, #tpu.memory_space<vmem>> -> memref<1x128x8xf32, #tpu.memory_space<vmem>>
    %dma_wait3A_110 = tpu.memref_squeeze %dma_wait3A_109 : memref<1x128x8xf32, #tpu.memory_space<vmem>> -> memref<128x8xf32, #tpu.memory_space<vmem>>
    %dma_wait3A_111 = arith.constant 0 : i32
    %dma_wait3A_112 = tpu.memref_slice %arg10[%dma_wait3A_106, %dma_wait3A_111] : memref<79x128xi32, #tpu.memory_space<vmem>> -> memref<1x128xi32, #tpu.memory_space<vmem>>
    %dma_wait3A_113 = tpu.memref_squeeze %dma_wait3A_112 : memref<1x128xi32, #tpu.memory_space<vmem>> -> memref<128xi32, #tpu.memory_space<vmem>>
    %dma_wait3A_114 = arith.constant 0 : i32
    %dma_wait3A_115 = arith.constant 0 : i32
    %dma_wait3A_116 = tpu.memref_slice %arg17[%dma_wait3A_114, %dma_wait3A_115] : memref<10016x8xf32, #tpu.memory_space<vmem_shared>> -> memref<10016x8xf32, #tpu.memory_space<vmem_shared>>
    tpu.wait_indirect_dma semaphore(%arg20 : memref<!tpu.dma_semaphore, #tpu.memory_space<semaphore_mem>>) src(%dma_wait3A_110 : memref<128x8xf32, #tpu.memory_space<vmem>>) dst(%dma_wait3A_116 : memref<10016x8xf32, #tpu.memory_space<vmem_shared>>)
    %barrier3A_117 = arith.constant 0 : index
    tpu.barrier barrier_id(%barrier3A_117)
    %mul3A_118 = arith.constant 626 : i32
    %mul3A_119 = arith.muli %arg1, %mul3A_118 : i32
    %mul3A_120 = arith.constant 626 : i32
    %mul3A_121 = arith.muli %arg1, %mul3A_120 : i32
    "tpu.region"() ({
      %run_scoped3A_122 = tpu.sem_alloc : memref<!tpu.dma_semaphore, #tpu.memory_space<semaphore_mem>>
      %dma_start3A_123 = arith.constant 0 : i32
      %dma_start3A_124 = tpu.memref_slice %arg6[%arg0, %mul3A_121, %dma_start3A_123] : memref<2x10016x8xf32, #tpu.memory_space<hbm>> -> memref<1x626x8xf32, #tpu.memory_space<hbm>>
      %dma_start3A_125 = tpu.memref_squeeze %dma_start3A_124 : memref<1x626x8xf32, #tpu.memory_space<hbm>> -> memref<626x8xf32, #tpu.memory_space<hbm>>
      %dma_start3A_126 = arith.constant 0 : i32
      %dma_start3A_127 = tpu.memref_slice %arg17[%mul3A_119, %dma_start3A_126] : memref<10016x8xf32, #tpu.memory_space<vmem_shared>> -> memref<626x8xf32, #tpu.memory_space<vmem_shared>>
      tpu.enqueue_dma source(%dma_start3A_127 : memref<626x8xf32, #tpu.memory_space<vmem_shared>>) target(%dma_start3A_125 : memref<626x8xf32, #tpu.memory_space<hbm>>) target_semaphore(%run_scoped3A_122 : memref<!tpu.dma_semaphore, #tpu.memory_space<semaphore_mem>>)
      %dma_wait3A_128 = arith.constant 0 : i32
      %dma_wait3A_129 = tpu.memref_slice %arg6[%arg0, %mul3A_121, %dma_wait3A_128] : memref<2x10016x8xf32, #tpu.memory_space<hbm>> -> memref<1x626x8xf32, #tpu.memory_space<hbm>>
      %dma_wait3A_130 = tpu.memref_squeeze %dma_wait3A_129 : memref<1x626x8xf32, #tpu.memory_space<hbm>> -> memref<626x8xf32, #tpu.memory_space<hbm>>
      %dma_wait3A_131 = arith.constant 0 : i32
      %dma_wait3A_132 = tpu.memref_slice %arg17[%mul3A_119, %dma_wait3A_131] : memref<10016x8xf32, #tpu.memory_space<vmem_shared>> -> memref<626x8xf32, #tpu.memory_space<vmem_shared>>
      tpu.wait_dma2 semaphore(%run_scoped3A_122 : memref<!tpu.dma_semaphore, #tpu.memory_space<semaphore_mem>>) src(%dma_wait3A_132 : memref<626x8xf32, #tpu.memory_space<vmem_shared>>) dst(%dma_wait3A_130 : memref<626x8xf32, #tpu.memory_space<hbm>>)
      tpu.yield
    }) : () -> ()
    return
  }
}

module attributes {stable_mosaic.version = 14 : i64} {
  func.func @_tc_b_body(%arg0: i32, %arg1: memref<1000x128xf32, #tpu.memory_space<vmem>>, %arg2: memref<128x8xf32, #tpu.memory_space<vmem>>, %arg3: memref<1000x8xf32, #tpu.memory_space<vmem>>) attributes {dimension_semantics = [#tpu.dimension_semantics<arbitrary>], iteration_bounds = array<i64: 10>, scalar_prefetch = 0 : i64, scratch_operands = 0 : i64, tpu.core_type = #tpu.core_type<tc>, window_params = [{transform_indices = @transform_0, window_bounds = array<i64: 1000, 128>}, {pipeline_mode = #tpu.pipeline_mode<synchronous>, transform_indices = @transform_1, window_bounds = array<i64: 128, 8>}, {transform_indices = @transform_2, window_bounds = array<i64: 1000, 8>}]} {
    %get3A = arith.constant 0 : index
    %get3A_0 = arith.constant 0 : index
    %get3A_1 = vector.load %arg1[%get3A, %get3A_0] : memref<1000x128xf32, #tpu.memory_space<vmem>>, vector<1000x128xf32>
    %get3A_2 = arith.constant 0 : index
    %get3A_3 = arith.constant 0 : index
    %get3A_4 = vector.load %arg2[%get3A_2, %get3A_3] : memref<128x8xf32, #tpu.memory_space<vmem>>, vector<128x8xf32>
    %dot_general3A = arith.constant dense<0.000000e+00> : vector<1000x8xf32>
    %dot_general3A_5 = tpu.matmul %get3A_1, %get3A_4, %dot_general3A {dimension_numbers = #tpu.dot_dimension_numbers<[1], [0], [0], [1], [0, 0, 1, 1], [], []>, transpose_lhs_hint = false} : vector<1000x128xf32>, vector<128x8xf32>, vector<1000x8xf32> -> vector<1000x8xf32>
    %swap3A = arith.constant 0 : index
    %swap3A_6 = arith.constant 0 : index
    %swap3A_7 = vector.load %arg3[%swap3A, %swap3A_6] : memref<1000x8xf32, #tpu.memory_space<vmem>>, vector<1000x8xf32>
    tpu.vector_store %arg3[%swap3A, %swap3A_6], %dot_general3A_5 {strides = array<i32>} : memref<1000x8xf32, #tpu.memory_space<vmem>>, vector<1000x8xf32>,
    return
  }
  func.func @transform_0(%arg0: i32) -> (i32, i32) {
    %c0_i32 = arith.constant 0 : i32
    %c0_i32_0 = arith.constant 0 : i32
    return %arg0, %c0_i32 : i32, i32
  }
  func.func @transform_1(%arg0: i32) -> (i32, i32) {
    %c0_i32 = arith.constant 0 : i32
    %c0_i32_0 = arith.constant 0 : i32
    %c0_i32_1 = arith.constant 0 : i32
    return %c0_i32, %c0_i32_0 : i32, i32
  }
  func.func @transform_2(%arg0: i32) -> (i32, i32) {
    %c0_i32 = arith.constant 0 : i32
    %c0_i32_0 = arith.constant 0 : i32
    return %arg0, %c0_i32 : i32, i32
  }
}

module attributes {stable_mosaic.version = 14 : i64} {
  func.func @_tc_f_body(%arg0: i32, %arg1: memref<2x10000x8xf32, #tpu.memory_space<vmem>>, %arg2: memref<10000x8xf32, #tpu.memory_space<vmem>>, %arg3: memref<10000x8xf32, #tpu.memory_space<vmem>>, %arg4: memref<1x10000xi32, #tpu.memory_space<vmem>>, %arg5: memref<6x10xf32, #tpu.memory_space<vmem>>, %arg6: memref<1x10xf32, #tpu.memory_space<vmem>>, %arg7: memref<8x10xf32, #tpu.memory_space<vmem>>) attributes {dimension_semantics = [#tpu.dimension_semantics<arbitrary>], iteration_bounds = array<i64: 1>, scalar_prefetch = 0 : i64, scratch_operands = 0 : i64, tpu.core_type = #tpu.core_type<tc>, window_params = [{transform_indices = @transform_0, window_bounds = array<i64: 2, 10000, 8>}, {transform_indices = @transform_1, window_bounds = array<i64: 10000, 8>}, {transform_indices = @transform_2, window_bounds = array<i64: 10000, 8>}, {pipeline_mode = #tpu.pipeline_mode<synchronous>, transform_indices = @transform_3, window_bounds = array<i64: 1, 10000>}, {pipeline_mode = #tpu.pipeline_mode<synchronous>, transform_indices = @transform_4, window_bounds = array<i64: 6, 10>}, {pipeline_mode = #tpu.pipeline_mode<synchronous>, transform_indices = @transform_5, window_bounds = array<i64: 1, 10>}, {pipeline_mode = #tpu.pipeline_mode<synchronous>, transform_indices = @transform_6, window_bounds = array<i64: 8, 10>}]} {
    %get3A = arith.constant 0 : index
    %get3A_0 = arith.constant 0 : index
    %get3A_1 = vector.load %arg3[%get3A, %get3A_0] : memref<10000x8xf32, #tpu.memory_space<vmem>>, vector<10000x8xf32>
    %get3A_2 = arith.constant 0 : index
    %get3A_3 = arith.constant 0 : index
    %get3A_4 = arith.constant 0 : index
    %get3A_5 = vector.load %arg1[%get3A_2, %get3A_3, %get3A_4] : memref<2x10000x8xf32, #tpu.memory_space<vmem>>, vector<1x10000x8xf32>
    %get3A_6 = vector.shape_cast %get3A_5 : vector<1x10000x8xf32> to vector<10000x8xf32>
    %get3A_7 = arith.constant 1 : index
    %get3A_8 = arith.constant 0 : index
    %get3A_9 = arith.constant 0 : index
    %get3A_10 = vector.load %arg1[%get3A_7, %get3A_8, %get3A_9] : memref<2x10000x8xf32, #tpu.memory_space<vmem>>, vector<1x10000x8xf32>
    %get3A_11 = vector.shape_cast %get3A_10 : vector<1x10000x8xf32> to vector<10000x8xf32>
    %add3A = arith.addf %get3A_6, %get3A_11 : vector<10000x8xf32>
    %get3A_12 = arith.constant 0 : index
    %get3A_13 = arith.constant 0 : index
    %get3A_14 = vector.load %arg2[%get3A_12, %get3A_13] : memref<10000x8xf32, #tpu.memory_space<vmem>>, vector<10000x8xf32>
    %add3A_15 = arith.addf %add3A, %get3A_14 : vector<10000x8xf32>
    %mul3A = arith.mulf %get3A_1, %add3A_15 : vector<10000x8xf32>
    %iota3A = tpu.iota {dimensions = array<i32: 0>} : vector<8x10000xi32>
    %get3A_16 = arith.constant 0 : index
    %get3A_17 = arith.constant 0 : index
    %get3A_18 = vector.load %arg4[%get3A_16, %get3A_17] : memref<1x10000xi32, #tpu.memory_space<vmem>>, vector<1x10000xi32>
    %eq3A = vector.broadcast %get3A_18 : vector<1x10000xi32> to vector<8x10000xi32>
    %eq3A_19 = arith.cmpi eq, %eq3A, %iota3A : vector<8x10000xi32>
    %convert_element_type3A = arith.extui %eq3A_19 : vector<8x10000xi1> to vector<8x10000xi32>
    %convert_element_type3A_20 = arith.sitofp %convert_element_type3A : vector<8x10000xi32> to vector<8x10000xf32>
    %dot_general3A = arith.constant dense<0.000000e+00> : vector<8x8xf32>
    %dot_general3A_21 = tpu.matmul %convert_element_type3A_20, %mul3A, %dot_general3A {dimension_numbers = #tpu.dot_dimension_numbers<[1], [0], [0], [1], [0, 0, 1, 1], [], []>, transpose_lhs_hint = false} : vector<8x10000xf32>, vector<10000x8xf32>, vector<8x8xf32> -> vector<8x8xf32>
    %reduce_sum3A = arith.constant dense<0.000000e+00> : vector<8xf32>
    %reduce_sum3A_22 = vector.multi_reduction <add>, %convert_element_type3A_20, %reduce_sum3A [1] : vector<8x10000xf32> to vector<8xf32>
    %broadcast_in_dim3A = vector.shape_cast %reduce_sum3A_22 : vector<8xf32> to vector<8x1xf32>
    %max3A = arith.constant 1.000000e+00 : f32
    %max3A_23 = vector.broadcast %max3A : f32 to vector<8x1xf32>
    %max3A_24 = arith.maximumf %broadcast_in_dim3A, %max3A_23 : vector<8x1xf32>
    %div3A = vector.broadcast %max3A_24 : vector<8x1xf32> to vector<8x8xf32>
    %div3A_25 = arith.divf %dot_general3A_21, %div3A : vector<8x8xf32>
    %slice3A = vector.extract_strided_slice %div3A_25 {offsets = [0, 0], sizes = [8, 6], strides = [1, 1]} : vector<8x8xf32> to vector<8x6xf32>
    %get3A_26 = arith.constant 0 : index
    %get3A_27 = arith.constant 0 : index
    %get3A_28 = vector.load %arg5[%get3A_26, %get3A_27] : memref<6x10xf32, #tpu.memory_space<vmem>>, vector<6x10xf32>
    %dot_general3A_29 = arith.constant dense<0.000000e+00> : vector<8x10xf32>
    %dot_general3A_30 = tpu.matmul %slice3A, %get3A_28, %dot_general3A_29 {dimension_numbers = #tpu.dot_dimension_numbers<[1], [0], [0], [1], [0, 0, 1, 1], [], []>, transpose_lhs_hint = false} : vector<8x6xf32>, vector<6x10xf32>, vector<8x10xf32> -> vector<8x10xf32>
    %get3A_31 = arith.constant 0 : index
    %get3A_32 = arith.constant 0 : index
    %get3A_33 = vector.load %arg6[%get3A_31, %get3A_32] : memref<1x10xf32, #tpu.memory_space<vmem>>, vector<1x10xf32>
    %add3A_34 = vector.broadcast %get3A_33 : vector<1x10xf32> to vector<8x10xf32>
    %add3A_35 = arith.addf %dot_general3A_30, %add3A_34 : vector<8x10xf32>
    %gt3A = arith.constant 0.000000e+00 : f32
    %gt3A_36 = vector.broadcast %gt3A : f32 to vector<8x1xf32>
    %gt3A_37 = arith.cmpf ogt, %broadcast_in_dim3A, %gt3A_36 : vector<8x1xf32>
    %jit3A = arith.constant 0.000000e+00 : f32
    %broadcast_in_dim3A_38 = vector.shape_cast %gt3A_37 : vector<8x1xi1> to vector<8x1xi1>
    %broadcast_in_dim3A_39 = vector.broadcast %broadcast_in_dim3A_38 : vector<8x1xi1> to vector<8x10xi1>
    %broadcast_in_dim3A_40 = vector.broadcast %jit3A : f32 to vector<8x10xf32>
    %select_n3A = arith.select %broadcast_in_dim3A_39, %add3A_35, %broadcast_in_dim3A_40 : vector<8x10xi1>, vector<8x10xf32>
    %reduce_max3A = arith.constant dense<0xFF800000> : vector<8xf32>
    %reduce_max3A_41 = vector.multi_reduction <maximumf>, %select_n3A, %reduce_max3A [1] : vector<8x10xf32> to vector<8xf32>
    %broadcast_in_dim3A_42 = vector.shape_cast %reduce_max3A_41 : vector<8xf32> to vector<8x1xf32>
    %sub3A = vector.broadcast %broadcast_in_dim3A_42 : vector<8x1xf32> to vector<8x10xf32>
    %sub3A_43 = arith.subf %select_n3A, %sub3A : vector<8x10xf32>
    %exp3A = math.exp %sub3A_43 : vector<8x10xf32>
    %reduce_sum3A_44 = arith.constant dense<0.000000e+00> : vector<8xf32>
    %reduce_sum3A_45 = vector.multi_reduction <add>, %exp3A, %reduce_sum3A_44 [1] : vector<8x10xf32> to vector<8xf32>
    %broadcast_in_dim3A_46 = vector.shape_cast %reduce_sum3A_45 : vector<8xf32> to vector<8x1xf32>
    %log3A = math.log %broadcast_in_dim3A_46 : vector<8x1xf32>
    %sub3A_47 = vector.broadcast %log3A : vector<8x1xf32> to vector<8x10xf32>
    %sub3A_48 = arith.subf %sub3A_43, %sub3A_47 : vector<8x10xf32>
    %swap3A = arith.constant 0 : index
    %swap3A_49 = arith.constant 0 : index
    %swap3A_50 = vector.load %arg7[%swap3A, %swap3A_49] : memref<8x10xf32, #tpu.memory_space<vmem>>, vector<8x10xf32>
    tpu.vector_store %arg7[%swap3A, %swap3A_49], %sub3A_48 {strides = array<i32>} : memref<8x10xf32, #tpu.memory_space<vmem>>, vector<8x10xf32>,
    return
  }
  func.func @transform_0(%arg0: i32) -> (i32, i32, i32) {
    %c0_i32 = arith.constant 0 : i32
    %c0_i32_0 = arith.constant 0 : i32
    %c0_i32_1 = arith.constant 0 : i32
    %c0_i32_2 = arith.constant 0 : i32
    return %c0_i32, %c0_i32_0, %c0_i32_1 : i32, i32, i32
  }
  func.func @transform_1(%arg0: i32) -> (i32, i32) {
    %c0_i32 = arith.constant 0 : i32
    %c0_i32_0 = arith.constant 0 : i32
    %c0_i32_1 = arith.constant 0 : i32
    return %c0_i32, %c0_i32_0 : i32, i32
  }
  func.func @transform_2(%arg0: i32) -> (i32, i32) {
    %c0_i32 = arith.constant 0 : i32
    %c0_i32_0 = arith.constant 0 : i32
    %c0_i32_1 = arith.constant 0 : i32
    return %c0_i32, %c0_i32_0 : i32, i32
  }
  func.func @transform_3(%arg0: i32) -> (i32, i32) {
    %c0_i32 = arith.constant 0 : i32
    %c0_i32_0 = arith.constant 0 : i32
    %c0_i32_1 = arith.constant 0 : i32
    return %c0_i32, %c0_i32_0 : i32, i32
  }
  func.func @transform_4(%arg0: i32) -> (i32, i32) {
    %c0_i32 = arith.constant 0 : i32
    %c0_i32_0 = arith.constant 0 : i32
    %c0_i32_1 = arith.constant 0 : i32
    return %c0_i32, %c0_i32_0 : i32, i32
  }
  func.func @transform_5(%arg0: i32) -> (i32, i32) {
    %c0_i32 = arith.constant 0 : i32
    %c0_i32_0 = arith.constant 0 : i32
    %c0_i32_1 = arith.constant 0 : i32
    return %c0_i32, %c0_i32_0 : i32, i32
  }
  func.func @transform_6(%arg0: i32) -> (i32, i32) {
    %c0_i32 = arith.constant 0 : i32
    %c0_i32_0 = arith.constant 0 : i32
    %c0_i32_1 = arith.constant 0 : i32
    return %c0_i32, %c0_i32_0 : i32, i32
  }
}

</mosaic_0001>

<sc_bundles>
// kernel: kernel.10.cloned.1.call-start
scs
__scs_entry_jumppad:
0x0: {  	(pc) =	sbr.rel $0x88, $3  }
0x1: {  	(tag) =	ssettag $0x0;
	lr =	simm.s32 $0x1  }
0x2: {  	[smem:$0x3F9A] =	sst lr;
	_ =	strace $0xD0000000  }
0x3: {  	_ = 	snop  }
0x4: {  	_ = 	snop  }
0x5: {  	_ = 	snop  }
0x6: {  	_ = 	snop  }
0x7: {  	_ = 	snop  }
__scs_overlays_trampoline_lowered:
0x8: {  	[smem:$0x3FA9] =	sst s0  }
0x9: {  	[smem:$0x3FAA] =	sst s1  }
0xa: {  	[smem:$0x3FAB] =	sst s2  }
0xb: {  	[smem:$0x3FAC] =	sst s3  }
0xc: {  	[smem:$0x3FAD] =	sst s4  }
0xd: {  	[smem:$0x3FAE] =	sst s5  }
0xe: {  	[smem:$0x3FAF] =	sst s6  }
0xf: {  	[smem:$0x3FB0] =	sst s7  }
0x10: {  	[smem:$0x3FB1] =	sst s8  }
0x11: {  	[smem:$0x3FB2] =	sst s9;
	s0 =	simm.s32 @!p0 $0x0  }
0x12: {  	s1 =	sld [smem:$0x3F98];
	s0 =	simm.s32 @p0 $0x1  }
0x13: {  	[smem:$0x3FB3] =	sst s0;
	s0 =	simm.s32 @!p1 $0x0  }
0x14: {  	s2 =	sld [smem:$0x3F97];
	s0 =	simm.s32 @p1 $0x1  }
0x15: {  	[smem:$0x3FB4] =	sst s0;
	s0 =	simm.s32 @!p2 $0x0  }
0x16: {  	s3 =	sld [smem:$0x3FDB];
	s0 =	simm.s32 @p2 $0x1  }
0x17: {  	s4 =	simm.s32 $0x1BF5;
	[smem:$0x3FB6] =	sst s0  }
0x18: {  	s0 =	sld [smem:$0x3F99];
	_ =	swait.ge [sflag:s4], $0x0  }
0x19: {  	s7 =	sld [smem:$0x3F9A]  }
0x1a: {  	s8 =	sadd.s32 $0xFFFFE003, lr  }
0x1b: {  	s9 =	sadd.s32 $0xFFFFFEF7, lr;
	s5 =	simm.s32 $0xFFFFFFFF;
	p2 =	slt.u32 s8, $0xFFFFF086  }
0x1c: {  	p1 =	slt.u32 s9, $0xF7A;
	s5 =	simm.s32 @!p2 $0x0  }
0x1d: {  	s5 =	simm.s32 @p1 $0x1;
	p0 =	seq.s32 s7, s2  }
0x1e: {  	s7 =	smul.u32 @!p0 $0xF7A, s2;
	p2 =	seq.s32 @!p0 s5, $0x0  }
0x1f: {  	s9 =	smul.u32 $0xF7A, s1;
	s8 =	simm.s32 @!p0 $0x1BF5;
	p2 =	por !p2, p0  }
0x20: {  	[sflag:s8] =	ssyncset.s32 @!p0 $0xFFFFF086;
	s6 =	sadd.s32 @!p0 s3, s7;
	s7 =	simm.s32 @!p0 $0x108  }
0x21: {  	s3 =	sadd.s32 s3, s9;
	s6 =	sadd.s32 @!p0 $0x88, s6;
	s7 =	simm.s32 @p2 $0x1082  }
0x22: {  	[simem:s7], [sflag:s8] =	dma.local @!p0 [hbm:s6], $0xF7A  }
0x23: {  	s9 =	sor.u32 $0xD0000000, s2;
	s6 =	simm.s32 $0x108;
	_ =	swait.ge @!p0 [sflag:s8], $0x0  }
0x24: {  	s3 =	sadd.s32 $0x88, s3;
	s6 =	simm.s32 @!p1 $0x1082;
	[sflag:s4] =	ssyncset.s32 $0xFFFFF086  }
0x25: {  	[simem:s6], [sflag:s4] =	dma.local [hbm:s3], $0xF7A  }
0x26: {  	[smem:$0x3F9A] =	sst s1;
	(tag) =	ssettag s2;
	_ =	strace s9  }
0x27: {  	s1 =	sld [smem:$0x3FAA]  }
0x28: {  	s2 =	sld [smem:$0x3FAB]  }
0x29: {  	s4 =	sld [smem:$0x3FAD]  }
0x2a: {  	p0 =	seq.s32 s5, $0x0;
	s5 =	sld [smem:$0x3FAE]  }
0x2b: {  	s6 =	sld [smem:$0x3FAF]  }
0x2c: {  	s7 =	sld [smem:$0x3FB0]  }
0x2d: {  	s3 =	simm.s32 $0x108;
	s8 =	sld [smem:$0x3FB1]  }
0x2e: {  	s3 =	simm.s32 @!p0 $0x1082;
	s9 =	sld [smem:$0x3FB2]  }
0x2f: {  	lr =	sadd.s32 s0, s3;
	s0 =	sld [smem:$0x3FA9]  }
0x30: {  	s3 =	sld [smem:$0x3FAC]  }
0x31: {  	[smem:$0x3FB5] =	sst s10  }
0x32: {  	s10 =	sld [smem:$0x3FB3];
	_ =	sdelay $0x3  }
0x33: {  	p0 =	seq.s32 s10, $0x1;
	s10 =	sld [smem:$0x3FB5];
	_ =	sdelay $0x3  }
0x34: {  	[smem:$0x3FB5] =	sst s10  }
0x35: {  	s10 =	sld [smem:$0x3FB4];
	_ =	sdelay $0x3  }
0x36: {  	p1 =	seq.s32 s10, $0x1;
	s10 =	sld [smem:$0x3FB5];
	_ =	sdelay $0x3  }
0x37: {  	[smem:$0x3FB5] =	sst s10  }
0x38: {  	s10 =	sld [smem:$0x3FB6]  }
0x39: {  	_ = 	snop;
	(pc) =	sbr.ind lr, $3  }
0x3a: {  	_ = 	snop  }
0x3b: {  	_ = 	snop  }
0x3c: {  	p2 =	seq.s32 s10, $0x1;
	s10 =	sld [smem:$0x3FB5]  }
0x3d: {  	_ =	shalt  }
0x3e: {  	_ =	shalt  }
0x3f: {  	_ =	shalt  }
0x40: {  	_ =	shalt  }
0x41: {  	_ =	shalt  }
0x42: {  	_ =	shalt  }
0x43: {  	_ =	shalt  }
0x44: {  	_ =	shalt  }
0x45: {  	_ =	shalt  }
0x46: {  	_ =	shalt  }
0x47: {  	_ =	shalt  }
0x48: {  	_ =	shalt  }
0x49: {  	_ =	shalt  }
0x4a: {  	_ =	shalt  }
0x4b: {  	_ =	shalt  }
0x4c: {  	_ =	shalt  }
0x4d: {  	_ =	shalt  }
0x4e: {  	_ =	shalt  }
0x4f: {  	_ =	shalt  }
0x50: {  	_ =	shalt  }
0x51: {  	_ =	shalt  }
0x52: {  	_ =	shalt  }
0x53: {  	_ =	shalt  }
0x54: {  	_ =	shalt  }
0x55: {  	_ =	shalt  }
0x56: {  	_ =	shalt  }
0x57: {  	_ =	shalt  }
0x58: {  	_ =	shalt  }
0x59: {  	_ =	shalt  }
0x5a: {  	_ =	shalt  }
0x5b: {  	_ =	shalt  }
0x5c: {  	_ =	shalt  }
0x5d: {  	_ =	shalt  }
0x5e: {  	_ =	shalt  }
0x5f: {  	_ =	shalt  }
0x60: {  	_ =	shalt  }
0x61: {  	_ =	shalt  }
0x62: {  	_ =	shalt  }
0x63: {  	_ =	shalt  }
0x64: {  	_ =	shalt  }
0x65: {  	_ =	shalt  }
0x66: {  	_ =	shalt  }
0x67: {  	_ =	shalt  }
0x68: {  	_ =	shalt  }
0x69: {  	_ =	shalt  }
0x6a: {  	_ =	shalt  }
0x6b: {  	_ =	shalt  }
0x6c: {  	_ =	shalt  }
0x6d: {  	_ =	shalt  }
0x6e: {  	_ =	shalt  }
0x6f: {  	_ =	shalt  }
0x70: {  	_ =	shalt  }
0x71: {  	_ =	shalt  }
0x72: {  	_ =	shalt  }
0x73: {  	_ =	shalt  }
0x74: {  	_ =	shalt  }
0x75: {  	_ =	shalt  }
0x76: {  	_ =	shalt  }
0x77: {  	_ =	shalt  }
0x78: {  	_ =	shalt  }
0x79: {  	_ =	shalt  }
0x7a: {  	_ =	shalt  }
0x7b: {  	_ =	shalt  }
0x7c: {  	_ =	shalt  }
0x7d: {  	_ =	shalt  }
0x7e: {  	_ =	shalt  }
0x7f: {  	_ =	shalt  }
0x80: {  	_ =	shalt  }
0x81: {  	_ =	shalt  }
0x82: {  	_ =	shalt  }
0x83: {  	_ =	shalt  }
0x84: {  	_ =	shalt  }
0x85: {  	_ =	shalt  }
0x86: {  	_ =	shalt  }
0x87: {  	_ =	shalt  }
.Lfunc_end0:
.L_simem_size_0:
called_computation.1_lowered:
.L_overlay_start_0:
0x88: {  	s2 =	sld [smem:$0x3FD9]  }
0x89: {  	s3 =	sld [smem:$0x3FFE];
	_ =	sdelay $0x1  }
0x8a: {  	s1 =	srdreg.scid  }
0x8b: {  	s0 =	sand.u32 $0x1, s1  }
0x8c: {  	s16 =	sshll.u32 s0, $0xA;
	s2 =	sadd.s32 s3, s2  }
0x8d: {  	s2 =	sadd.s32 s2, s16  }
0x8e: {  	[smem:$0x3FC1] =	sst s2  }
0x8f: {  	_ = 	snop  }
0x90: {  	(tm) =	ssettm $0x1  }
0x91: {  	s17 =	sld [smem:$0x3FFB];
	_ =	sdelay $0x3  }
0x92: {  	_ =	strace s17  }
0x93: {  	s2 =	sld [smem:$0x3FFC];
	_ =	sdelay $0x3  }
0x94: {  	_ =	strace s2  }
0x95: {  	s2 =	sld [smem:$0x3FFD];
	_ =	sdelay $0x3  }
0x96: {  	_ =	strace s2  }
0x97: {  	_ =	strace $0x8FFFFFFF  }
0x98: {  	s18 =	sld [smem:$0x3FDB];
	_ =	sdelay $0x1  }
0x99: {  	s19 =	simm.s32 $_scs_section_size  }
0x9a: {  	s4 =	simm.s32 $_size__tile_overlayer_lowered;
	s5 =	simm.s32 $_tile_overlayer_lowered  }
0x9b: {  	s22 =	simm.s32 $0x1BFF;
	s21 =	sshll.u32 s5, $0x1;
	s2 =	sadd.s32 s19, s18  }
0x9c: {  	s6 =	simm.s32 $0x0;
	s20 =	sshll.u32 s4, $0x1;
	s4 =	sadd.s32 s21, s2  }
0x9d: {  	[timem:s6], [sflag:s22] =	dma.local [hbm:s4], s20  }
0x9e: {  	_ =	swait.ge [sflag:s22], s20  }
0x9f: {  	s3 =	ssub.s32 $0x0, s20;
	[sflag:s22] =	ssyncset.done $0x0  }
0xa0: {  	[sflag:s22] =	ssyncadd.s32 s3;
	_ =	sdelay $0x1  }
0xa1: {  	s23 =	simm.s32 $0x1B8B  }
0xa2: {  	_ =	swait.ge [sflag:s23], $0x1  }
0xa3: {  	[sflag:s23] =	ssyncset.done $0x0  }
0xa4: {  	s25 =	simm.s32 $0x1B8E;
	s24 =	sld [smem:$0x3FFE];
	[sflag:s23] =	ssyncadd.s32 $0xFFFFFFFF  }
0xa5: {  	s26 =	simm.s32 $execute0_lowered;
	[smem:$0x3FD2] =	sst s25  }
0xa6: {  	s4 =	sshll.u32 s26, $0x1;
	_ =	strace $0x80000049;
	[dreg:$0x1] =	wrdreg $0xFFFFFFFF  }
0xa7: {  	s28 =	simm.s32 $_size_execute0_lowered;
	s2 =	sadd.s32 s2, s4;
	[dreg:$0x0] =	wrdreg $0x0  }
0xa8: {  	s4 =	sshll.u32 s28, $0x1;
	[dreg:$0x2] =	wrdreg s2  }
0xa9: {  	[dreg:$0x3] =	wrdreg s4  }
0xaa: {  	[dreg:$0x4] =	wrdreg $0xC0  }
0xab: {  	_ =	task [dreg:s6], $0x5FFFF  }
0xac: {  	[dreg:$0x1] =	wrdreg $0xFFFFFFFF  }
0xad: {  	[dreg:$0x0] =	wrdreg $0x60  }
0xae: {  	[dreg:$0x2] =	wrdreg s24  }
0xaf: {  	[dreg:$0x3] =	wrdreg $0xC8D00  }
0xb0: {  	[dreg:$0x4] =	wrdreg $0xDC600  }
0xb1: {  	[dreg:$0x5] =	wrdreg $0x9  }
0xb2: {  	_ =	task.clear_ibuf [dreg:s6], $0x6FFFF;
	_ =	strace $0x90000049  }
0xb3: {  	s29 =	simm.s32 $0x9;
	_ =	strace $0x8000004B  }
0xb4: {  	_ =	swait.ge [sflag:s29], $0x1  }
0xb5: {  	[sflag:s29] =	ssyncadd.s32 $0xFFFFFFFF  }
0xb6: {  	_ =	strace $0x9000004B  }
0xb7: {  	_ =	sfence  }
0xb8: {  	s30 =	sld [smem:$0x0];
	_ =	sdelay $0x2  }
0xb9: {  	s31 =	sshll.u32 s1, $0xD;
	s1 =	sshrl.u32 s1, $0x2  }
0xba: {  	s3 =	sand.u32 $0x4000, s31;
	s1 =	sadd.s32 s1, s30  }
0xbb: {  	s0 =	sor.u32 s3, s0;
	s1 =	sshll.u32 s1, $0x11  }
0xbc: {  	s0 =	sor.u32 s1, s0  }
0xbd: {  	s0 =	sadd.s32 $0x8F2B, s0  }
0xbe: {  	[sflag:s0] =	ssyncadd.remote.s32 $0x1  }
0xbf: {  	_ =	sfence.sel $0xFFFF  }
0xc0: {  	[dreg:$0x0] =	wrdreg $0xFFFFFFFF;
	(pc) =	sbr.abs _section_cstart, $3  }
0xc1: {  	[dreg:$0x1] =	wrdreg $0xFFFFFFFF  }
0xc2: {  	_ =	task.clear_ibuf [dreg:s6], $0x2FFFF;
	_ =	strace $0x9FFFFFFF  }
0xc3: {  	(tm) =	ssettm $0x7FFFFFFF  }
tec
execute0_lowered:
.L_overlay_start_1:
0x0: {  	(tag) =	ssettag $0x1  }
0x1: {  	s0 =	srdreg.scid;
	s1 =	rddreg [dreg:$0x0]  }
0x2: {  	s10 =	stileid.u32;
	s2 =	rddreg [dreg:$0x1]  }
0x3: {  	s20 =	simm.s32 $0x3;
	s28 =	simm.s32 $0x80;
	s12 =	smul.u32 $0x1390, s10  }
0x4: {  	s21 =	simm.s32 $0x2;
	s0 =	sand.u32 $0x1, s0;
	s7 =	smul.u32 $0x272, s10  }
0x5: {  	s29 =	simm.s32 $0x0;
	s30 =	sshll.u32 s10, $0x6;
	s6 =	smul.u32 $0x13900, s0  }
0x6: {  	s3 =	sshll.u32 s0, $0x4;
	s9 =	smul.u32 $0x139, s0;
	s24 =	ssub.s32 $0x2, s0  }
0x7: {  	s0 =	smul.u32 $0x9C8, s0;
	s4 =	sor.u32 s10, s3;
	s3 =	rddreg [dreg:$0x2]  }
0x8: {  	s22 =	sshrl.u32 s12, $0x3;
	s25 =	sshrl.u32 s24, $0x1;
	s19 =	sadd.s32 s12, s2  }
0x9: {  	s5 =	smul.u32 $0x2780, s4;
	s4 =	simm.s32 $0x0;
	s11 =	sadd.s32 s22, s1  }
0xa: {  	s23 =	sadd.s32 s12, s6;
	s7 =	sadd.s32 s9, s7;
	s18 =	ssub.s32 s24, s25  }
0xb: {  	s6 =	sor.u32 $0x1C03, s30;
	s12 =	sadd.s32 s12, s3;
	s14 =	sadd.s32 $0xA1B0, s0  }
0xc: {  	s16 =	sadd.s32 $0xB540, s0;
	s19 =	sshrl.u32 s19, $0x3;
	s22 =	simm.s32 $0x6700  }
0xd: {  	s24 =	simm.s32 $0x8E20;
	s25 =	simm.s32 $0xB540;
	s0 =	simm.s32 $0x1  }
0xe: {  	[smem:$0x7FF] =	sst s4;
	s26 =	sadd.s32 $0x16200, s11;
	s9 =	sadd.s32 $0x18A00, s11  }
0xf: {  	s10 =	sadd.s32 $0x1B120, s11;
	s11 =	sadd.s32 $0x1DC00, s11;
	s18 =	smax.u32 s18, $0x1  }
0x10: {  	_ =	strace $0x8000004A;
	s5 =	sshrl.u32 s5, $0x3;
	[dreg:$0x4] =	wrdreg s26  }
0x11: {  	s26 =	simm.s32 $0xA1B0;
	s8 =	sadd.s32 s5, s1;
	s5 =	sshrl.u32 s23, $0x3  }
0x12: {  	v1 =	vlaneseq.u32;
	s23 =	simm.s32 $0x7A90;
	s17 =	sadd.s32 s5, s1;
	s31 =	sadd.s32 $0x2600, s8  }
0x13: {  	v0 =	vshrl.u32 v1, $0x3;
	s1 =	sadd.s32 s7, s1;
	s8 =	sadd.s32 $0xC400, s8;
	[dreg:$0x5] =	wrdreg s31  }
0x14: {  	v1 =	vand.u32 $0x7, v1;
	v0 =	vmul.u32 $0x8, v0;
	s13 =	sadd.s32 $0x25400, s1;
	s15 =	sadd.s32 $0x27C00, s1;
	s17 =	sadd.s32 $0x20400, s17  }
.LBB2_1:
0x15: {  	s1 =	rddreg [dreg:$0x4]  }
0x16: {  	[spmem:s19], [sflag:s6] =	dma.local [hbm:s1], $0x272  }
0x17: {  	_ =	swait.ge [sflag:s20], $0x272  }
0x18: {  	[sflag:s20] =	ssyncset.done $0x0  }
0x19: {  	s5 =	rddreg [dreg:$0x5];
	[sflag:s20] =	ssyncadd.s32 $0xFFFFFD8E  }
0x1a: {  	[tilespmem:s4], [sflag:$0x3] =	stream.linear.gather [hbm4b:s5+s4], $0x2780, $0x38;
	[tilespmem:$0xEFF0] =	vst v63  }
0x1b: {  	_ =	swait.ge [sflag:s20], $0x2780  }
0x1c: {  	[sflag:s20] =	ssyncset.done $0x0  }
0x1d: {  	s7 =	simm.s32 $0x2780;
	[sflag:s20] =	ssyncadd.s32 $0xFFFFD880  }
0x1e: {  	[tilespmem:s7], [sflag:$0x3] =	stream.linear.gather [hbm4b:s8+s4], $0x2780, $0x38;
	[tilespmem:$0xEFF0] =	vst v63  }
0x1f: {  	_ =	swait.ge [sflag:s20], $0x2780  }
0x20: {  	[sflag:s20] =	ssyncset.done $0x0  }
0x21: {  	[sflag:s20] =	ssyncadd.s32 $0xFFFFD880  }
0x22: {  	[tilespmem:s22], [sflag:$0x3] =	stream.linear.gather [hbm4b:s9+s4], $0x1390, $0x38;
	[tilespmem:$0xEFF0] =	vst v63  }
0x23: {  	v2 =	vmov s4;
	_ =	swait.ge [sflag:s20], $0x1390  }
0x24: {  	v2 =	vshll.u32 v2, $0x1;
	[sflag:s20] =	ssyncset.done $0x0  }
0x25: {  	v2 =	vshll.u32 v2, $0x3;
	[sflag:s20] =	ssyncadd.s32 $0xFFFFEC70  }
0x26: {  	v2 =	vbroadcast v2, $0x0;
	[tilespmem:s23], [sflag:$0x3] =	stream.linear.gather [hbm4b:s10+s4], $0x1390, $0x38;
	[tilespmem:$0xEFF0] =	vst v63  }
0x27: {  	_ =	swait.ge [sflag:s20], $0x1390  }
0x28: {  	v2 =	vor.u32 v0, v2;
	[sflag:s20] =	ssyncset.done $0x0  }
0x29: {  	v2 =	vor.u32 v1, v2;
	[sflag:s20] =	ssyncadd.s32 $0xFFFFEC70  }
0x2a: {  	[tilespmem:s24], [sflag:$0x3] =	stream.linear.gather [hbm4b:s11+s4], $0x1390, $0x38;
	[tilespmem:$0xEFF0] =	vst v63  }
0x2b: {  	_ =	swait.ge [sflag:s20], $0x1390  }
0x2c: {  	[sflag:s20] =	ssyncset.done $0x0  }
0x2d: {  	[sflag:s20] =	ssyncadd.s32 $0xFFFFEC70  }
0x2e: {  	v3 =	vld.idx.msk [tilespmem:v2+s23+$0x0], $0xffff  }
0x2f: {  	v4 =	vld.idx.msk [tilespmem:v2+s22+$0x0], $0xffff;
	_ =	sdelay $0x4  }
0x30: {  	v3 =	vadd.f32 v3, v4;
	_ =	sdelay $0x1  }
0x31: {  	v3 =	vadd.f32 $1.000000000e+00, v3;
	_ =	sdelay $0x1  }
0x32: {  	v4 =	vshrl.u32 v3, $0x1;
	v5 =	vmul.f32 $5.000000000e-01, v3  }
0x33: {  	v3 =	vsub.s32 $0x5F3759DF, v4  }
0x34: {  	v4 =	vmul.f32 v3, v5;
	_ =	sdelay $0x1  }
0x35: {  	v4 =	vmul.f32 v3, v4;
	_ =	sdelay $0x1  }
0x36: {  	v4 =	vsub.f32 $1.500000000e+00, v4;
	_ =	sdelay $0x1  }
0x37: {  	v3 =	vmul.f32 v3, v4;
	_ =	sdelay $0x1  }
0x38: {  	v4 =	vmul.f32 v3, v5;
	_ =	sdelay $0x1  }
0x39: {  	v4 =	vmul.f32 v4, v3;
	_ =	sdelay $0x1  }
0x3a: {  	v4 =	vsub.f32 $1.500000000e+00, v4;
	_ =	sdelay $0x1  }
0x3b: {  	v3 =	vmul.f32 v4, v3;
	_ =	sdelay $0x1  }
0x3c: {  	v4 =	vmul.f32 v3, v5;
	_ =	sdelay $0x1  }
0x3d: {  	v4 =	vmul.f32 v4, v3;
	_ =	sdelay $0x1  }
0x3e: {  	v4 =	vsub.f32 $1.500000000e+00, v4;
	_ =	sdelay $0x1  }
0x3f: {  	v3 =	vmul.f32 v4, v3  }
0x40: {  	s31 =	simm.s32 $0x1  }
0x41: {  	v6 =	vmov s31;
	v4 =	vmul.f32 v3, v5  }
0x42: {  	s30 =	simm.s32 $0x2;
	v5 =	vshll.u32 v6, $0x1  }
.LBB2_2:
0x43: {  	p0 =	sne.s32 s30, $0x138;
	v5 =	vshll.u32 v5, $0x3;
	v6 =	vld.idx.msk [tilespmem:v2+s24+$0x0], $0xffff;
	v4 =	vmul.f32 v4, v3  }
0x44: {  	v5 =	vbroadcast v5, $0x0  }
0x45: {  	v4 =	vsub.f32 $1.500000000e+00, v4  }
0x46: {  	v5 =	vor.u32 v0, v5  }
0x47: {  	v5 =	vor.u32 v1, v5;
	v3 =	vmul.f32 v4, v3;
	_ =	sdelay $0x1  }
0x48: {  	v4 =	vmul.f32 v3, v6  }
0x49: {  	[tilespmem:v2+s25+$0x0] =	vst.idx.msk $0xffff, v3  }
0x4a: {  	[tilespmem:v2+s26+$0x0] =	vst.idx.msk $0xffff, v4;
	v2 =	vmov v5  }
0x4b: {  	v3 =	vld.idx.msk [tilespmem:v5+s23+$0x0], $0xffff  }
0x4c: {  	v4 =	vld.idx.msk [tilespmem:v5+s22+$0x0], $0xffff;
	_ =	sdelay $0x5  }
0x4d: {  	v3 =	vadd.f32 v3, v4;
	_ =	sdelay $0x1  }
0x4e: {  	v3 =	vadd.f32 $1.000000000e+00, v3;
	_ =	sdelay $0x1  }
0x4f: {  	v4 =	vshrl.u32 v3, $0x1;
	v5 =	vmul.f32 $5.000000000e-01, v3  }
0x50: {  	v3 =	vsub.s32 $0x5F3759DF, v4  }
0x51: {  	v4 =	vmul.f32 v3, v5;
	_ =	sdelay $0x1  }
0x52: {  	v4 =	vmul.f32 v3, v4;
	_ =	sdelay $0x1  }
0x53: {  	v4 =	vsub.f32 $1.500000000e+00, v4;
	_ =	sdelay $0x1  }
0x54: {  	v3 =	vmul.f32 v3, v4;
	_ =	sdelay $0x1  }
0x55: {  	v4 =	vmul.f32 v3, v5;
	_ =	sdelay $0x1  }
0x56: {  	v4 =	vmul.f32 v4, v3;
	_ =	sdelay $0x1  }
0x57: {  	v4 =	vsub.f32 $1.500000000e+00, v4;
	_ =	sdelay $0x1  }
0x58: {  	v3 =	vmul.f32 v4, v3;
	_ =	sdelay $0x1  }
0x59: {  	v4 =	vmul.f32 v3, v5;
	_ =	sdelay $0x1  }
0x5a: {  	v4 =	vmul.f32 v4, v3;
	_ =	sdelay $0x1  }
0x5b: {  	v4 =	vsub.f32 $1.500000000e+00, v4  }
.Ltmp0:
0x5c: {  	(pc) =	sbr.rel @p0 .LBB2_2-.Ltmp0, $3  }
0x5d: {  	v3 =	vmul.f32 v4, v3;
	_ =	sdelay $0x1  }
0x5e: {  	v6 =	vmov s30;
	v4 =	vmul.f32 v3, v5  }
0x5f: {  	s30 =	sadd.s32 $0x1, s30;
	v5 =	vshll.u32 v6, $0x1  }
0x60: {  	_ =	sdelay $0x2  }
0x61: {  	v5 =	vshll.u32 v5, $0x3;
	v4 =	vmul.f32 v4, v3  }
0x62: {  	v6 =	vld.idx.msk [tilespmem:v2+s24+$0x0], $0xffff;
	v5 =	vbroadcast v5, $0x0  }
0x63: {  	v4 =	vsub.f32 $1.500000000e+00, v4  }
0x64: {  	v5 =	vor.u32 v0, v5  }
0x65: {  	v5 =	vor.u32 v1, v5;
	v3 =	vmul.f32 v4, v3;
	_ =	sdelay $0x1  }
0x66: {  	v4 =	vmul.f32 v3, v6  }
0x67: {  	[tilespmem:v2+s25+$0x0] =	vst.idx.msk $0xffff, v3  }
0x68: {  	[tilespmem:v2+s26+$0x0] =	vst.idx.msk $0xffff, v4  }
0x69: {  	v2 =	vld.idx.msk [tilespmem:v5+s23+$0x0], $0xffff  }
0x6a: {  	v3 =	vld.idx.msk [tilespmem:v5+s22+$0x0], $0xffff;
	_ =	sdelay $0x4  }
0x6b: {  	v2 =	vadd.f32 v2, v3;
	_ =	sdelay $0x1  }
0x6c: {  	v2 =	vadd.f32 $1.000000000e+00, v2;
	_ =	sdelay $0x1  }
0x6d: {  	v3 =	vshrl.u32 v2, $0x1;
	v2 =	vmul.f32 $5.000000000e-01, v2  }
0x6e: {  	v3 =	vsub.s32 $0x5F3759DF, v3  }
0x6f: {  	v62 =	vmul.f32 v3, v2;
	_ =	sdelay $0x1  }
0x70: {  	v4 =	vmul.f32 v3, v62;
	_ =	sdelay $0x1  }
0x71: {  	v4 =	vsub.f32 $1.500000000e+00, v4;
	_ =	sdelay $0x1  }
0x72: {  	v3 =	vmul.f32 v3, v4;
	_ =	sdelay $0x1  }
0x73: {  	v4 =	vmul.f32 v3, v2;
	_ =	sdelay $0x1  }
0x74: {  	v4 =	vmul.f32 v4, v3;
	_ =	sdelay $0x1  }
0x75: {  	v4 =	vsub.f32 $1.500000000e+00, v4;
	_ =	sdelay $0x1  }
0x76: {  	v3 =	vmul.f32 v4, v3;
	_ =	sdelay $0x1  }
0x77: {  	v4 =	vmul.f32 v3, v2;
	_ =	sdelay $0x1  }
0x78: {  	v4 =	vmul.f32 v4, v3;
	_ =	sdelay $0x1  }
0x79: {  	v4 =	vsub.f32 $1.500000000e+00, v4;
	_ =	sdelay $0x1  }
0x7a: {  	v3 =	vmul.f32 v4, v3;
	_ =	sdelay $0x1  }
0x7b: {  	v2 =	vmul.f32 v3, v2;
	_ =	sdelay $0x1  }
0x7c: {  	v2 =	vmul.f32 v2, v3  }
0x7d: {  	v63 =	vld.idx.msk [tilespmem:v5+s24+$0x0], $0xffff  }
0x7e: {  	v2 =	vsub.f32 $1.500000000e+00, v2;
	_ =	sdelay $0x1  }
0x7f: {  	v2 =	vmul.f32 v2, v3;
	_ =	sdelay $0x1  }
0x80: {  	v3 =	vmul.f32 v2, v63  }
0x81: {  	[tilespmem:v5+s25+$0x0] =	vst.idx.msk $0xffff, v2  }
0x82: {  	[tilespmem:v5+s26+$0x0] =	vst.idx.msk $0xffff, v3  }
0x83: {  	[spmem:s12] =	stream.linear.scatter [tilespmem:s26], [sflag:$0x3], $0x1390, $0x38;
	[tilespmem:$0xEFF0] =	vst v63  }
0x84: {  	_ =	swait.ge [sflag:s20], $0x1390  }
0x85: {  	[sflag:s20] =	ssyncset.done $0x0  }
0x86: {  	s30 =	simm.s32 $0x0;
	[sflag:s20] =	ssyncadd.s32 $0xFFFFEC70  }
0x87: {  	[hbm4b:s13+s30] =	stream.linear.scatter [tilespmem:s14], [sflag:$0x3], $0x9C8, $0x38;
	[tilespmem:$0xEFF0] =	vst v63  }
0x88: {  	_ =	swait.ge [sflag:s20], $0x9C8  }
0x89: {  	[sflag:s20] =	ssyncset.done $0x0  }
0x8a: {  	[sflag:s20] =	ssyncadd.s32 $0xFFFFF638  }
0x8b: {  	[hbm4b:s15+s30] =	stream.linear.scatter [tilespmem:s16], [sflag:$0x3], $0x9C8, $0x38;
	[tilespmem:$0xEFF0] =	vst v63  }
0x8c: {  	_ =	swait.ge [sflag:s20], $0x9C8  }
0x8d: {  	[sflag:s20] =	ssyncset.done $0x0  }
0x8e: {  	[sflag:s20] =	ssyncadd.s32 $0xFFFFF638  }
0x8f: {  	s1 =	simm.s32 $0x4F00;
	[bflag:$0x0] =	sbarrier.arrive $0xFFFF  }
0x90: {  	[tilespmem:s1], [sflag:$0x1] =	stream.indirect.gather [spmem:s3], $0x8, s30, s28, $0xb8;
	[tilespmem:$0xEFF0] =	vst v63  }
0x91: {  	s5 =	simm.s32 $0x5300;
	s7 =	simm.s32 $0x100  }
0x92: {  	[tilespmem:s5], [sflag:$0x1] =	stream.indirect.gather [spmem:s3], $0x8, s28, s28, $0xb8;
	[tilespmem:$0xEFF0] =	vst v63  }
0x93: {  	s31 =	simm.s32 $0x180;
	s1 =	simm.s32 $0x2780;
	s5 =	simm.s32 $0x5700  }
0x94: {  	[tilespmem:s5], [sflag:$0x1] =	stream.indirect.gather [spmem:s3], $0x8, s7, s28, $0xb8;
	[tilespmem:$0xEFF0] =	vst v63  }
.LBB2_4:
0x95: {  	s5 =	smul.u32 $0xAB, s30;
	_ =	sdelay $0x1  }
0x96: {  	s5 =	sshrl.u32 s5, $0xA  }
0x97: {  	s5 =	sand.u32 $0x3F, s5  }
0x98: {  	s5 =	smul.u32 $0x6, s5;
	_ =	sdelay $0x1  }
0x99: {  	s5 =	ssub.s32 s30, s5  }
0x9a: {  	_ =	swait.ge [sflag:s0], $0x400;
	s5 =	sand.u32 $0xFF, s5  }
0x9b: {  	[sflag:s0] =	ssyncset.done $0x0;
	s5 =	sshll.u32 s5, $0xA  }
0x9c: {  	p0 =	slt.u32 s30, $0x3;
	[sflag:s0] =	ssyncadd.s32 $0xFFFFFC00;
	s5 =	sadd.s32 $0x4F00, s5  }
0x9d: {  	[spmem:s2] =	stream.indirect.scatter.add.f32 [tilespmem:s5], [sflag:$0x2], $0x8, s1, s28, $0xb8;
	[tilespmem:$0xEFF0] =	vst v63  }
0x9e: {  	s5 =	simm.s32 @!p0 $0x2  }
0x9f: {  	p1 =	sgt.u32 @!p0 s30, $0x4B;
	_ =	swait.ge @!p0 [sflag:s5], $0x400  }
0xa0: {  	p1 =	por p0, !p1;
	[sflag:s5] =	ssyncset.done @!p0 $0x0  }
0xa1: {  	[sflag:s5] =	ssyncadd.s32 @!p0 $0xFFFFFC00;
	s5 =	sadd.s32 @p1 $0x3, s30  }
0xa2: {  	s7 =	smul.u32 @p1 $0xAB, s5;
	_ =	sdelay $0x1  }
0xa3: {  	s7 =	sshrl.u32 @p1 s7, $0xA  }
0xa4: {  	s7 =	sand.u32 @p1 $0x3F, s7  }
0xa5: {  	s7 =	smul.u32 @p1 $0x6, s7  }
0xa6: {  	s30 =	sadd.s32 $0x1, s30  }
0xa7: {  	p0 =	sne.s32 s30, $0x4F;
	s5 =	ssub.s32 @p1 s5, s7  }
.Ltmp1:
0xa8: {  	s5 =	sand.u32 @p1 $0xFF, s5;
	(pc) =	sbr.rel @p0 .LBB2_4-.Ltmp1, $4  }
0xa9: {  	s5 =	sshll.u32 @p1 s5, $0xA  }
0xaa: {  	s5 =	sadd.s32 @p1 $0x4F00, s5  }
0xab: {  	[tilespmem:s5], [sflag:$0x1] =	stream.indirect.gather @p1 [spmem:s3], $0x8, s31, s28, $0xb8;
	[tilespmem:$0xEFF0] =	vst v63  }
0xac: {  	s1 =	sadd.s32 $0x80, s1;
	s31 =	sadd.s32 $0x80, s31  }
0xad: {  	_ =	swait.ge [sflag:s21], $0x400  }
0xae: {  	[sflag:s21] =	ssyncset.done $0x0  }
0xaf: {  	[sflag:s21] =	ssyncadd.s32 $0xFFFFFC00  }
0xb0: {  	_ =	swait.ge [sflag:s21], $0x400  }
0xb1: {  	[sflag:s21] =	ssyncset.done $0x0  }
0xb2: {  	[sflag:s21] =	ssyncadd.s32 $0xFFFFFC00  }
0xb3: {  	_ =	swait.ge [sflag:s21], $0x400  }
0xb4: {  	s29 =	sadd.s32 $0x1, s29;
	[sflag:s21] =	ssyncset.done $0x0  }
0xb5: {  	p0 =	sne.s32 s29, s18;
	[sflag:s21] =	ssyncadd.s32 $0xFFFFFC00  }
.Ltmp2:
0xb6: {  	[bflag:$0x0] =	sbarrier.arrive $0xFFFF;
	(pc) =	sbr.rel @p0 .LBB2_1-.Ltmp2, $4  }
0xb7: {  	[hbm:s17], [sflag:s6] =	dma.local [spmem:s19], $0x272  }
0xb8: {  	_ =	swait.ge [sflag:s20], $0x272  }
0xb9: {  	[sflag:s20] =	ssyncset.done $0x0  }
0xba: {  	[sflag:s20] =	ssyncadd.s32 $0xFFFFFD8E  }
0xbb: {  	_ =	sfence.sel $0x180000  }
0xbc: {  	[bflag:$0x0] =	sbarrier.arrive $0xFFFF  }
0xbd: {  	_ =	strace $0x9000004A  }
0xbe: {  	s0 =	stileid.u32;
	[bflag:$0x2] =	sbarrier.arrive $0xFFFF  }
0xbf: {  	p0 =	sne.s32 s0, $0x0;
	s0 =	rddreg [dreg:$0x3]  }
0xc0: {  	s0 =	sadd.s32 @!p0 $0x100000, s0  }
0xc1: {  	[sflag:s0] =	ssyncadd.tile.s32 @!p0 $0x1;
	_ =	shalt  }
.Lfunc_end2:
_tile_overlayer_lowered:
.L_overlay_start_2:
0xc2: {  	(tag) =	ssettag $0x2  }
0xc3: {  	s0 =	rddreg [dreg:$0x0];
	s2 =	stileid.u32  }
0xc4: {  	s1 =	rddreg [dreg:$0x1];
	p0 =	sne.s32 s2, $0x0  }
0xc5: {  	s3 =	rddreg [dreg:$0x2];
	[bflag:$0x3] =	sbarrier.arrive $0xFFFF;
	s2 =	simm.s32 @!p0 $0x1C03  }
0xc6: {  	[timem:s3], [sflag:s2] =	dma.local @!p0 [hbm:s0], s1  }
0xc7: {  	s0 =	simm.s32 @!p0 $0x3  }
0xc8: {  	_ =	swait.ge @!p0 [sflag:s0], s1  }
0xc9: {  	s1 =	ssub.s32 @!p0 $0x0, s1;
	[sflag:s0] =	ssyncset.done @!p0 $0x0  }
0xca: {  	[sflag:s0] =	ssyncadd.s32 @!p0 s1  }
0xcb: {  	[bflag:$0x3] =	sbarrier.arrive $0xFFFF  }
0xcc: {  	_ =	shalt  }

// kernel: kernel.13.cloned.1.call-start
scs
__scs_entry_jumppad:
0x0: {  	(pc) =	sbr.rel $0x88, $3  }
0x1: {  	(tag) =	ssettag $0x0;
	lr =	simm.s32 $0x1  }
0x2: {  	[smem:$0x3F9A] =	sst lr;
	_ =	strace $0xD0000000  }
0x3: {  	_ = 	snop  }
0x4: {  	_ = 	snop  }
0x5: {  	_ = 	snop  }
0x6: {  	_ = 	snop  }
0x7: {  	_ = 	snop  }
__scs_overlays_trampoline_lowered:
0x8: {  	[smem:$0x3FA9] =	sst s0  }
0x9: {  	[smem:$0x3FAA] =	sst s1  }
0xa: {  	[smem:$0x3FAB] =	sst s2  }
0xb: {  	[smem:$0x3FAC] =	sst s3  }
0xc: {  	[smem:$0x3FAD] =	sst s4  }
0xd: {  	[smem:$0x3FAE] =	sst s5  }
0xe: {  	[smem:$0x3FAF] =	sst s6  }
0xf: {  	[smem:$0x3FB0] =	sst s7  }
0x10: {  	[smem:$0x3FB1] =	sst s8  }
0x11: {  	[smem:$0x3FB2] =	sst s9;
	s0 =	simm.s32 @!p0 $0x0  }
0x12: {  	s1 =	sld [smem:$0x3F98];
	s0 =	simm.s32 @p0 $0x1  }
0x13: {  	[smem:$0x3FB3] =	sst s0;
	s0 =	simm.s32 @!p1 $0x0  }
0x14: {  	s2 =	sld [smem:$0x3F97];
	s0 =	simm.s32 @p1 $0x1  }
0x15: {  	[smem:$0x3FB4] =	sst s0;
	s0 =	simm.s32 @!p2 $0x0  }
0x16: {  	s3 =	sld [smem:$0x3FDB];
	s0 =	simm.s32 @p2 $0x1  }
0x17: {  	s4 =	simm.s32 $0x1BF5;
	[smem:$0x3FB6] =	sst s0  }
0x18: {  	s0 =	sld [smem:$0x3F99];
	_ =	swait.ge [sflag:s4], $0x0  }
0x19: {  	s7 =	sld [smem:$0x3F9A]  }
0x1a: {  	s8 =	sadd.s32 $0xFFFFE003, lr  }
0x1b: {  	s9 =	sadd.s32 $0xFFFFFEF7, lr;
	s5 =	simm.s32 $0xFFFFFFFF;
	p2 =	slt.u32 s8, $0xFFFFF086  }
0x1c: {  	p1 =	slt.u32 s9, $0xF7A;
	s5 =	simm.s32 @!p2 $0x0  }
0x1d: {  	s5 =	simm.s32 @p1 $0x1;
	p0 =	seq.s32 s7, s2  }
0x1e: {  	s7 =	smul.u32 @!p0 $0xF7A, s2;
	p2 =	seq.s32 @!p0 s5, $0x0  }
0x1f: {  	s9 =	smul.u32 $0xF7A, s1;
	s8 =	simm.s32 @!p0 $0x1BF5;
	p2 =	por !p2, p0  }
0x20: {  	[sflag:s8] =	ssyncset.s32 @!p0 $0xFFFFF086;
	s6 =	sadd.s32 @!p0 s3, s7;
	s7 =	simm.s32 @!p0 $0x108  }
0x21: {  	s3 =	sadd.s32 s3, s9;
	s6 =	sadd.s32 @!p0 $0x88, s6;
	s7 =	simm.s32 @p2 $0x1082  }
0x22: {  	[simem:s7], [sflag:s8] =	dma.local @!p0 [hbm:s6], $0xF7A  }
0x23: {  	s9 =	sor.u32 $0xD0000000, s2;
	s6 =	simm.s32 $0x108;
	_ =	swait.ge @!p0 [sflag:s8], $0x0  }
0x24: {  	s3 =	sadd.s32 $0x88, s3;
	s6 =	simm.s32 @!p1 $0x1082;
	[sflag:s4] =	ssyncset.s32 $0xFFFFF086  }
0x25: {  	[simem:s6], [sflag:s4] =	dma.local [hbm:s3], $0xF7A  }
0x26: {  	[smem:$0x3F9A] =	sst s1;
	(tag) =	ssettag s2;
	_ =	strace s9  }
0x27: {  	s1 =	sld [smem:$0x3FAA]  }
0x28: {  	s2 =	sld [smem:$0x3FAB]  }
0x29: {  	s4 =	sld [smem:$0x3FAD]  }
0x2a: {  	p0 =	seq.s32 s5, $0x0;
	s5 =	sld [smem:$0x3FAE]  }
0x2b: {  	s6 =	sld [smem:$0x3FAF]  }
0x2c: {  	s7 =	sld [smem:$0x3FB0]  }
0x2d: {  	s3 =	simm.s32 $0x108;
	s8 =	sld [smem:$0x3FB1]  }
0x2e: {  	s3 =	simm.s32 @!p0 $0x1082;
	s9 =	sld [smem:$0x3FB2]  }
0x2f: {  	lr =	sadd.s32 s0, s3;
	s0 =	sld [smem:$0x3FA9]  }
0x30: {  	s3 =	sld [smem:$0x3FAC]  }
0x31: {  	[smem:$0x3FB5] =	sst s10  }
0x32: {  	s10 =	sld [smem:$0x3FB3];
	_ =	sdelay $0x3  }
0x33: {  	p0 =	seq.s32 s10, $0x1;
	s10 =	sld [smem:$0x3FB5];
	_ =	sdelay $0x3  }
0x34: {  	[smem:$0x3FB5] =	sst s10  }
0x35: {  	s10 =	sld [smem:$0x3FB4];
	_ =	sdelay $0x3  }
0x36: {  	p1 =	seq.s32 s10, $0x1;
	s10 =	sld [smem:$0x3FB5];
	_ =	sdelay $0x3  }
0x37: {  	[smem:$0x3FB5] =	sst s10  }
0x38: {  	s10 =	sld [smem:$0x3FB6]  }
0x39: {  	_ = 	snop;
	(pc) =	sbr.ind lr, $3  }
0x3a: {  	_ = 	snop  }
0x3b: {  	_ = 	snop  }
0x3c: {  	p2 =	seq.s32 s10, $0x1;
	s10 =	sld [smem:$0x3FB5]  }
0x3d: {  	_ =	shalt  }
0x3e: {  	_ =	shalt  }
0x3f: {  	_ =	shalt  }
0x40: {  	_ =	shalt  }
0x41: {  	_ =	shalt  }
0x42: {  	_ =	shalt  }
0x43: {  	_ =	shalt  }
0x44: {  	_ =	shalt  }
0x45: {  	_ =	shalt  }
0x46: {  	_ =	shalt  }
0x47: {  	_ =	shalt  }
0x48: {  	_ =	shalt  }
0x49: {  	_ =	shalt  }
0x4a: {  	_ =	shalt  }
0x4b: {  	_ =	shalt  }
0x4c: {  	_ =	shalt  }
0x4d: {  	_ =	shalt  }
0x4e: {  	_ =	shalt  }
0x4f: {  	_ =	shalt  }
0x50: {  	_ =	shalt  }
0x51: {  	_ =	shalt  }
0x52: {  	_ =	shalt  }
0x53: {  	_ =	shalt  }
0x54: {  	_ =	shalt  }
0x55: {  	_ =	shalt  }
0x56: {  	_ =	shalt  }
0x57: {  	_ =	shalt  }
0x58: {  	_ =	shalt  }
0x59: {  	_ =	shalt  }
0x5a: {  	_ =	shalt  }
0x5b: {  	_ =	shalt  }
0x5c: {  	_ =	shalt  }
0x5d: {  	_ =	shalt  }
0x5e: {  	_ =	shalt  }
0x5f: {  	_ =	shalt  }
0x60: {  	_ =	shalt  }
0x61: {  	_ =	shalt  }
0x62: {  	_ =	shalt  }
0x63: {  	_ =	shalt  }
0x64: {  	_ =	shalt  }
0x65: {  	_ =	shalt  }
0x66: {  	_ =	shalt  }
0x67: {  	_ =	shalt  }
0x68: {  	_ =	shalt  }
0x69: {  	_ =	shalt  }
0x6a: {  	_ =	shalt  }
0x6b: {  	_ =	shalt  }
0x6c: {  	_ =	shalt  }
0x6d: {  	_ =	shalt  }
0x6e: {  	_ =	shalt  }
0x6f: {  	_ =	shalt  }
0x70: {  	_ =	shalt  }
0x71: {  	_ =	shalt  }
0x72: {  	_ =	shalt  }
0x73: {  	_ =	shalt  }
0x74: {  	_ =	shalt  }
0x75: {  	_ =	shalt  }
0x76: {  	_ =	shalt  }
0x77: {  	_ =	shalt  }
0x78: {  	_ =	shalt  }
0x79: {  	_ =	shalt  }
0x7a: {  	_ =	shalt  }
0x7b: {  	_ =	shalt  }
0x7c: {  	_ =	shalt  }
0x7d: {  	_ =	shalt  }
0x7e: {  	_ =	shalt  }
0x7f: {  	_ =	shalt  }
0x80: {  	_ =	shalt  }
0x81: {  	_ =	shalt  }
0x82: {  	_ =	shalt  }
0x83: {  	_ =	shalt  }
0x84: {  	_ =	shalt  }
0x85: {  	_ =	shalt  }
0x86: {  	_ =	shalt  }
0x87: {  	_ =	shalt  }
.Lfunc_end0:
.L_simem_size_0:
called_computation.2_lowered:
.L_overlay_start_0:
0x88: {  	s2 =	sld [smem:$0x3FD9]  }
0x89: {  	s3 =	sld [smem:$0x3FFE];
	_ =	sdelay $0x1  }
0x8a: {  	s1 =	srdreg.scid  }
0x8b: {  	s0 =	sand.u32 $0x1, s1  }
0x8c: {  	s17 =	sshll.u32 s0, $0xA;
	s2 =	sadd.s32 s3, s2  }
0x8d: {  	s2 =	sadd.s32 s2, s17  }
0x8e: {  	[smem:$0x3FC1] =	sst s2  }
0x8f: {  	_ = 	snop  }
0x90: {  	s2 =	sld [smem:$0x3FD0];
	(tm) =	ssettm $0x1  }
0x91: {  	s18 =	sld [smem:$0x3FFB];
	_ =	sdelay $0x3  }
0x92: {  	_ =	strace s18  }
0x93: {  	s3 =	sld [smem:$0x3FFC];
	_ =	sdelay $0x3  }
0x94: {  	_ =	strace s3  }
0x95: {  	s3 =	sld [smem:$0x3FFD];
	_ =	sdelay $0x3  }
0x96: {  	_ =	strace s3  }
0x97: {  	_ =	strace $0x8FFFFFFF  }
0x98: {  	s19 =	sld [smem:$0x3FDB];
	_ =	sdelay $0x1  }
0x99: {  	s4 =	simm.s32 $_scs_section_size  }
0x9a: {  	s5 =	simm.s32 $_size__tile_overlayer_lowered;
	s6 =	simm.s32 $_tile_overlayer_lowered  }
0x9b: {  	s22 =	simm.s32 $0x1BFF;
	s21 =	sshll.u32 s6, $0x1;
	s3 =	sadd.s32 s4, s19  }
0x9c: {  	s7 =	simm.s32 $0x0;
	s20 =	sshll.u32 s5, $0x1;
	s5 =	sadd.s32 s21, s3  }
0x9d: {  	[timem:s7], [sflag:s22] =	dma.local [hbm:s5], s20  }
0x9e: {  	_ =	swait.ge [sflag:s22], s20  }
0x9f: {  	s4 =	ssub.s32 $0x0, s20;
	[sflag:s22] =	ssyncset.done $0x0  }
0xa0: {  	[sflag:s22] =	ssyncadd.s32 s4;
	_ =	sdelay $0x1  }
0xa1: {  	s23 =	simm.s32 $0x1B8B  }
0xa2: {  	_ =	swait.ge [sflag:s23], $0x1  }
0xa3: {  	[sflag:s23] =	ssyncset.done $0x0  }
0xa4: {  	s25 =	simm.s32 $0x1B8E;
	s24 =	sld [smem:$0x3FFE];
	[sflag:s23] =	ssyncadd.s32 $0xFFFFFFFF  }
0xa5: {  	s26 =	simm.s32 $execute0_lowered;
	[smem:$0x3FD2] =	sst s25  }
0xa6: {  	s5 =	sshll.u32 s26, $0x1;
	_ =	strace $0x8000004C;
	[dreg:$0x1] =	wrdreg $0xFFFFFFFF  }
0xa7: {  	s28 =	simm.s32 $_size_execute0_lowered;
	s3 =	sadd.s32 s3, s5;
	[dreg:$0x0] =	wrdreg $0x0  }
0xa8: {  	s5 =	sshll.u32 s28, $0x1;
	[dreg:$0x2] =	wrdreg s3  }
0xa9: {  	[dreg:$0x3] =	wrdreg s5  }
0xaa: {  	[dreg:$0x4] =	wrdreg $0xC0  }
0xab: {  	_ =	task [dreg:s7], $0x5FFFF  }
0xac: {  	[dreg:$0x1] =	wrdreg $0xFFFFFFFF  }
0xad: {  	[dreg:$0x0] =	wrdreg $0x60  }
0xae: {  	[dreg:$0x2] =	wrdreg s24  }
0xaf: {  	[dreg:$0x3] =	wrdreg s2  }
0xb0: {  	[dreg:$0x4] =	wrdreg $0xC8E00  }
0xb1: {  	[dreg:$0x5] =	wrdreg $0xDC700  }
0xb2: {  	[dreg:$0x6] =	wrdreg $0x9  }
0xb3: {  	_ =	task.clear_ibuf [dreg:s7], $0x7FFFF;
	_ =	strace $0x9000004C  }
0xb4: {  	s29 =	simm.s32 $0x9;
	_ =	strace $0x8000004E  }
0xb5: {  	_ =	swait.ge [sflag:s29], $0x1  }
0xb6: {  	[sflag:s29] =	ssyncadd.s32 $0xFFFFFFFF  }
0xb7: {  	_ =	strace $0x9000004E  }
0xb8: {  	_ =	sfence  }
0xb9: {  	s30 =	sld [smem:$0x0];
	_ =	sdelay $0x2  }
0xba: {  	s31 =	sshll.u32 s1, $0xD;
	s1 =	sshrl.u32 s1, $0x2  }
0xbb: {  	s3 =	sand.u32 $0x4000, s31;
	s1 =	sadd.s32 s1, s30  }
0xbc: {  	s0 =	sor.u32 s3, s0;
	s1 =	sshll.u32 s1, $0x11  }
0xbd: {  	s0 =	sor.u32 s1, s0  }
0xbe: {  	s0 =	sadd.s32 $0x8F2B, s0  }
0xbf: {  	[sflag:s0] =	ssyncadd.remote.s32 $0x1  }
0xc0: {  	_ =	sfence.sel $0xFFFF  }
0xc1: {  	[dreg:$0x0] =	wrdreg $0xFFFFFFFF;
	(pc) =	sbr.abs _section_cstart, $3  }
0xc2: {  	[dreg:$0x1] =	wrdreg $0xFFFFFFFF  }
0xc3: {  	_ =	task.clear_ibuf [dreg:s7], $0x2FFFF;
	_ =	strace $0x9FFFFFFF  }
0xc4: {  	(tm) =	ssettm $0x7FFFFFFF  }
0xc5: {  	_ =	shalt  }
tec
execute0_lowered:
.L_overlay_start_1:
0x0: {  	(tag) =	ssettag $0x1  }
0x1: {  	s1 =	rddreg [dreg:$0x0]  }
0x2: {  	s0 =	srdreg.scid;
	s3 =	rddreg [dreg:$0x2]  }
0x3: {  	s10 =	stileid.u32;
	s4 =	rddreg [dreg:$0x3];
	s5 =	simm.s32 $0x0  }
0x4: {  	s20 =	simm.s32 $0x3;
	s22 =	simm.s32 $0x6700;
	s23 =	simm.s32 $0x7A90  }
0x5: {  	s24 =	simm.s32 $0x8E20;
	s25 =	simm.s32 $0xA1B0;
	s28 =	simm.s32 $0xB540  }
0x6: {  	s29 =	simm.s32 $0x80;
	s21 =	simm.s32 $0x2;
	s14 =	smul.u32 $0x1390, s10  }
0x7: {  	s0 =	sand.u32 $0x1, s0;
	[smem:$0x7FF] =	sst s5;
	s15 =	smul.u32 $0x272, s10  }
0x8: {  	s30 =	sshll.u32 s10, $0x6;
	s2 =	sshll.u32 s0, $0x4;
	s6 =	smul.u32 $0x13900, s0  }
0x9: {  	_ =	strace $0x8000004D;
	s8 =	smul.u32 $0x139, s0;
	s9 =	ssub.s32 $0x2, s0  }
0xa: {  	s0 =	smul.u32 $0x2720, s0;
	s2 =	sor.u32 s10, s2;
	s7 =	sshrl.u32 s14, $0x3  }
0xb: {  	s26 =	sshrl.u32 s9, $0x1;
	s19 =	sadd.s32 s14, s3;
	s2 =	smul.u32 $0x2780, s2  }
0xc: {  	s6 =	sadd.s32 s14, s6;
	s13 =	sadd.s32 s7, s1;
	s18 =	ssub.s32 s9, s26  }
0xd: {  	s7 =	sor.u32 $0x1C03, s30;
	s14 =	sadd.s32 s14, s4;
	s0 =	sshrl.u32 s0, $0x2  }
0xe: {  	s19 =	sshrl.u32 s19, $0x3;
	s26 =	simm.s32 $0x0;
	s6 =	sshrl.u32 s6, $0x3  }
0xf: {  	s31 =	sadd.s32 $0x16200, s13;
	s10 =	sadd.s32 $0x20400, s13;
	s11 =	sadd.s32 $0x22B20, s13  }
0x10: {  	s12 =	sadd.s32 $0x25400, s13;
	s13 =	sadd.s32 $0x27C00, s13;
	s16 =	sadd.s32 $0xB540, s0  }
0x11: {  	s18 =	smax.u32 s18, $0x1;
	s2 =	sshrl.u32 s2, $0x3;
	s17 =	sadd.s32 s6, s1  }
0x12: {  	v1 =	vlaneseq.u32;
	[dreg:$0x5] =	wrdreg s31;
	s2 =	sadd.s32 s2, s1;
	s1 =	sadd.s32 s8, s1  }
0x13: {  	v0 =	vshrl.u32 v1, $0x3;
	s17 =	sadd.s32 $0x18A00, s17;
	s8 =	sadd.s32 $0x2600, s2;
	s1 =	sadd.s32 s15, s1  }
0x14: {  	v1 =	vand.u32 $0x7, v1;
	v0 =	vmul.u32 $0x8, v0;
	s9 =	sadd.s32 $0xC400, s2;
	s15 =	sadd.s32 $0x1DA00, s1;
	s1 =	simm.s32 $0x1  }
.LBB2_1:
0x15: {  	s0 =	rddreg [dreg:$0x5]  }
0x16: {  	[spmem:s19], [sflag:s7] =	dma.local [hbm:s0], $0x272  }
0x17: {  	_ =	swait.ge [sflag:s20], $0x272  }
0x18: {  	[sflag:s20] =	ssyncset.done $0x0  }
0x19: {  	[sflag:s20] =	ssyncadd.s32 $0xFFFFFD8E  }
0x1a: {  	[tilespmem:s5], [sflag:$0x3] =	stream.linear.gather [hbm4b:s8+s5], $0x2780, $0x38;
	[tilespmem:$0xF000] =	vst v63  }
0x1b: {  	_ =	swait.ge [sflag:s20], $0x2780  }
0x1c: {  	[sflag:s20] =	ssyncset.done $0x0  }
0x1d: {  	s2 =	simm.s32 $0x2780;
	[sflag:s20] =	ssyncadd.s32 $0xFFFFD880  }
0x1e: {  	[tilespmem:s2], [sflag:$0x3] =	stream.linear.gather [hbm4b:s9+s5], $0x2780, $0x38;
	[tilespmem:$0xF000] =	vst v63  }
0x1f: {  	_ =	swait.ge [sflag:s20], $0x2780  }
0x20: {  	[sflag:s20] =	ssyncset.done $0x0  }
0x21: {  	[sflag:s20] =	ssyncadd.s32 $0xFFFFD880  }
0x22: {  	[tilespmem:s22], [sflag:$0x3] =	stream.linear.gather [hbm4b:s10+s5], $0x1390, $0x38;
	[tilespmem:$0xF000] =	vst v63  }
0x23: {  	_ =	swait.ge [sflag:s20], $0x1390  }
0x24: {  	[sflag:s20] =	ssyncset.done $0x0  }
0x25: {  	[sflag:s20] =	ssyncadd.s32 $0xFFFFEC70  }
0x26: {  	[tilespmem:s23], [sflag:$0x3] =	stream.linear.gather [hbm4b:s11+s5], $0x1390, $0x38;
	[tilespmem:$0xF000] =	vst v63  }
0x27: {  	_ =	swait.ge [sflag:s20], $0x1390  }
0x28: {  	[sflag:s20] =	ssyncset.done $0x0  }
0x29: {  	[sflag:s20] =	ssyncadd.s32 $0xFFFFEC70  }
0x2a: {  	[tilespmem:s24], [sflag:$0x3] =	stream.linear.gather [hbm4b:s12+s5], $0x1390, $0x38;
	[tilespmem:$0xF000] =	vst v63  }
0x2b: {  	_ =	swait.ge [sflag:s20], $0x1390  }
0x2c: {  	v2 =	vmov s5;
	[sflag:s20] =	ssyncset.done $0x0  }
0x2d: {  	v2 =	vshll.u32 v2, $0x1;
	[sflag:s20] =	ssyncadd.s32 $0xFFFFEC70  }
0x2e: {  	v2 =	vshll.u32 v2, $0x3;
	[tilespmem:s25], [sflag:$0x3] =	stream.linear.gather [hbm4b:s13+s5], $0x1390, $0x38;
	[tilespmem:$0xF000] =	vst v63  }
0x2f: {  	v2 =	vbroadcast v2, $0x0;
	_ =	swait.ge [sflag:s20], $0x1390  }
0x30: {  	[sflag:s20] =	ssyncset.done $0x0  }
0x31: {  	v2 =	vor.u32 v0, v2;
	[sflag:s20] =	ssyncadd.s32 $0xFFFFEC70  }
0x32: {  	v2 =	vor.u32 v1, v2;
	s2 =	simm.s32 $0xC8D0;
	s6 =	rddreg [dreg:$0x1]  }
0x33: {  	[tilespmem:s2], [sflag:$0x3] =	stream.linear.gather [hbm4b:s6+s5], $0x10, $0x38;
	[tilespmem:$0xF000] =	vst v63  }
0x34: {  	_ =	swait.ge [sflag:s20], $0x10  }
0x35: {  	[sflag:s20] =	ssyncset.done $0x0  }
0x36: {  	[sflag:s20] =	ssyncadd.s32 $0xFFFFFFF0  }
0x37: {  	v3 =	vld.idx.msk [tilespmem:v2+s23+$0x0], $0xffff  }
0x38: {  	v4 =	vld.idx.msk [tilespmem:v2+s22+$0x0], $0xffff;
	_ =	sdelay $0x2  }
0x39: {  	v5 =	vld.idx.msk [tilespmem:v2+s24+$0x0], $0xffff;
	_ =	sdelay $0x1  }
0x3a: {  	v7 =	vadd.f32 v3, v4;
	v4 =	vld.idx.msk [tilespmem:v2+s25+$0x0], $0xffff  }
0x3b: {  	s31 =	simm.s32 $0x1  }
0x3c: {  	v6 =	vmov s31;
	v3 =	vld [tilespmem:$0xC8D0]  }
0x3d: {  	s30 =	simm.s32 $0x2;
	v6 =	vshll.u32 v6, $0x1;
	v5 =	vadd.f32 v5, v7  }
.LBB2_2:
0x3e: {  	p0 =	sne.s32 s30, $0x138;
	v6 =	vshll.u32 v6, $0x3  }
0x3f: {  	v6 =	vbroadcast v6, $0x0;
	v5 =	vmul.f32 v5, v4;
	_ =	sdelay $0x1  }
0x40: {  	v6 =	vor.u32 v0, v6;
	v5 =	vadd.f32 v5, v3  }
0x41: {  	v6 =	vor.u32 v1, v6  }
0x42: {  	v5 =	vmax.f32 v5, $0.0e+00  }
0x43: {  	v4 =	vmul.f32 v5, v4;
	_ =	sdelay $0x1  }
0x44: {  	[tilespmem:v2+s28+$0x0] =	vst.idx.msk $0xffff, v4;
	v2 =	vmov v6  }
0x45: {  	v5 =	vld.idx.msk [tilespmem:v6+s23+$0x0], $0xffff  }
0x46: {  	v7 =	vld.idx.msk [tilespmem:v6+s22+$0x0], $0xffff;
	_ =	sdelay $0x1  }
0x47: {  	v8 =	vld.idx.msk [tilespmem:v6+s24+$0x0], $0xffff;
	_ =	sdelay $0x1  }
.Ltmp0:
0x48: {  	v4 =	vld.idx.msk [tilespmem:v6+s25+$0x0], $0xffff;
	(pc) =	sbr.rel @p0 .LBB2_2-.Ltmp0, $4  }
0x49: {  	_ = 	snop  }
0x4a: {  	v5 =	vadd.f32 v5, v7  }
0x4b: {  	v6 =	vmov s30  }
0x4c: {  	s30 =	sadd.s32 $0x1, s30;
	v6 =	vshll.u32 v6, $0x1;
	v5 =	vadd.f32 v8, v5  }
0x4d: {  	v6 =	vshll.u32 v6, $0x3  }
0x4e: {  	v6 =	vbroadcast v6, $0x0;
	v5 =	vmul.f32 v5, v4;
	_ =	sdelay $0x1  }
0x4f: {  	v6 =	vor.u32 v0, v6;
	v5 =	vadd.f32 v5, v3  }
0x50: {  	v6 =	vor.u32 v1, v6  }
0x51: {  	v5 =	vmax.f32 v5, $0.0e+00  }
0x52: {  	v62 =	vmul.f32 v5, v4;
	_ =	sdelay $0x1  }
0x53: {  	[tilespmem:v2+s28+$0x0] =	vst.idx.msk $0xffff, v62  }
0x54: {  	v2 =	vld.idx.msk [tilespmem:v6+s23+$0x0], $0xffff  }
0x55: {  	v4 =	vld.idx.msk [tilespmem:v6+s22+$0x0], $0xffff;
	_ =	sdelay $0x1  }
0x56: {  	v63 =	vld.idx.msk [tilespmem:v6+s24+$0x0], $0xffff;
	_ =	sdelay $0x1  }
0x57: {  	v7 =	vld.idx.msk [tilespmem:v6+s25+$0x0], $0xffff  }
0x58: {  	v2 =	vadd.f32 v2, v4;
	_ =	sdelay $0x1  }
0x59: {  	v2 =	vadd.f32 v63, v2;
	_ =	sdelay $0x1  }
0x5a: {  	v2 =	vmul.f32 v2, v7;
	_ =	sdelay $0x1  }
0x5b: {  	v2 =	vadd.f32 v2, v3;
	_ =	sdelay $0x1  }
0x5c: {  	v2 =	vmax.f32 v2, $0.0e+00  }
0x5d: {  	v2 =	vmul.f32 v2, v7;
	_ =	sdelay $0x1  }
0x5e: {  	[tilespmem:v6+s28+$0x0] =	vst.idx.msk $0xffff, v2  }
0x5f: {  	[spmem:s14] =	stream.linear.scatter [tilespmem:s28], [sflag:$0x3], $0x1390, $0x38;
	[tilespmem:$0xF000] =	vst v63  }
0x60: {  	_ =	swait.ge [sflag:s20], $0x1390  }
0x61: {  	[sflag:s20] =	ssyncset.done $0x0  }
0x62: {  	s30 =	simm.s32 $0x0;
	[sflag:s20] =	ssyncadd.s32 $0xFFFFEC70  }
0x63: {  	[hbm4b:s15+s30] =	stream.linear.scatter [tilespmem:s16], [sflag:$0x3], $0x9C8, $0x38;
	[tilespmem:$0xF000] =	vst v63  }
0x64: {  	_ =	swait.ge [sflag:s20], $0x9C8  }
0x65: {  	[sflag:s20] =	ssyncset.done $0x0  }
0x66: {  	[sflag:s20] =	ssyncadd.s32 $0xFFFFF638  }
0x67: {  	s0 =	simm.s32 $0x4F00;
	[bflag:$0x0] =	sbarrier.arrive $0xFFFF  }
0x68: {  	[tilespmem:s0], [sflag:$0x1] =	stream.indirect.gather [spmem:s4], $0x8, s30, s29, $0xb8;
	[tilespmem:$0xF000] =	vst v63  }
0x69: {  	s2 =	simm.s32 $0x5300  }
0x6a: {  	[tilespmem:s2], [sflag:$0x1] =	stream.indirect.gather [spmem:s4], $0x8, s29, s29, $0xb8;
	[tilespmem:$0xF000] =	vst v63  }
0x6b: {  	s6 =	simm.s32 $0x100;
	s2 =	simm.s32 $0x5700  }
0x6c: {  	[tilespmem:s2], [sflag:$0x1] =	stream.indirect.gather [spmem:s4], $0x8, s6, s29, $0xb8;
	[tilespmem:$0xF000] =	vst v63  }
0x6d: {  	s31 =	simm.s32 $0x180;
	s2 =	simm.s32 $0x2780  }
.LBB2_4:
0x6e: {  	s0 =	smul.u32 $0xAB, s30;
	_ =	sdelay $0x1  }
0x6f: {  	s0 =	sshrl.u32 s0, $0xA  }
0x70: {  	s0 =	sand.u32 $0x3F, s0  }
0x71: {  	s0 =	smul.u32 $0x6, s0;
	_ =	sdelay $0x1  }
0x72: {  	s0 =	ssub.s32 s30, s0  }
0x73: {  	_ =	swait.ge [sflag:s1], $0x400;
	s0 =	sand.u32 $0xFF, s0  }
0x74: {  	[sflag:s1] =	ssyncset.done $0x0;
	s0 =	sshll.u32 s0, $0xA  }
0x75: {  	p0 =	slt.u32 s30, $0x3;
	[sflag:s1] =	ssyncadd.s32 $0xFFFFFC00;
	s0 =	sadd.s32 $0x4F00, s0  }
0x76: {  	[spmem:s3] =	stream.indirect.scatter.add.f32 [tilespmem:s0], [sflag:$0x2], $0x8, s2, s29, $0xb8;
	[tilespmem:$0xF000] =	vst v63  }
0x77: {  	s0 =	simm.s32 @!p0 $0x2  }
0x78: {  	p1 =	sgt.u32 @!p0 s30, $0x4B;
	_ =	swait.ge @!p0 [sflag:s0], $0x400  }
0x79: {  	p1 =	por p0, !p1;
	[sflag:s0] =	ssyncset.done @!p0 $0x0  }
0x7a: {  	[sflag:s0] =	ssyncadd.s32 @!p0 $0xFFFFFC00;
	s0 =	sadd.s32 @p1 $0x3, s30  }
0x7b: {  	s6 =	smul.u32 @p1 $0xAB, s0;
	_ =	sdelay $0x1  }
0x7c: {  	s6 =	sshrl.u32 @p1 s6, $0xA  }
0x7d: {  	s6 =	sand.u32 @p1 $0x3F, s6  }
0x7e: {  	s6 =	smul.u32 @p1 $0x6, s6  }
0x7f: {  	s30 =	sadd.s32 $0x1, s30  }
0x80: {  	p0 =	sne.s32 s30, $0x4F;
	s0 =	ssub.s32 @p1 s0, s6  }
.Ltmp1:
0x81: {  	s0 =	sand.u32 @p1 $0xFF, s0;
	(pc) =	sbr.rel @p0 .LBB2_4-.Ltmp1, $4  }
0x82: {  	s0 =	sshll.u32 @p1 s0, $0xA  }
0x83: {  	s0 =	sadd.s32 @p1 $0x4F00, s0  }
0x84: {  	[tilespmem:s0], [sflag:$0x1] =	stream.indirect.gather @p1 [spmem:s4], $0x8, s31, s29, $0xb8;
	[tilespmem:$0xF000] =	vst v63  }
0x85: {  	s2 =	sadd.s32 $0x80, s2;
	s31 =	sadd.s32 $0x80, s31  }
0x86: {  	_ =	swait.ge [sflag:s21], $0x400  }
0x87: {  	[sflag:s21] =	ssyncset.done $0x0  }
0x88: {  	[sflag:s21] =	ssyncadd.s32 $0xFFFFFC00  }
0x89: {  	_ =	swait.ge [sflag:s21], $0x400  }
0x8a: {  	[sflag:s21] =	ssyncset.done $0x0  }
0x8b: {  	[sflag:s21] =	ssyncadd.s32 $0xFFFFFC00  }
0x8c: {  	_ =	swait.ge [sflag:s21], $0x400  }
0x8d: {  	s26 =	sadd.s32 $0x1, s26;
	[sflag:s21] =	ssyncset.done $0x0  }
0x8e: {  	p0 =	sne.s32 s26, s18;
	[sflag:s21] =	ssyncadd.s32 $0xFFFFFC00  }
.Ltmp2:
0x8f: {  	[bflag:$0x0] =	sbarrier.arrive $0xFFFF;
	(pc) =	sbr.rel @p0 .LBB2_1-.Ltmp2, $4  }
0x90: {  	[hbm:s17], [sflag:s7] =	dma.local [spmem:s19], $0x272  }
0x91: {  	_ =	swait.ge [sflag:s20], $0x272  }
0x92: {  	[sflag:s20] =	ssyncset.done $0x0  }
0x93: {  	[sflag:s20] =	ssyncadd.s32 $0xFFFFFD8E  }
0x94: {  	_ =	sfence.sel $0x180000  }
0x95: {  	[bflag:$0x0] =	sbarrier.arrive $0xFFFF  }
0x96: {  	_ =	strace $0x9000004D  }
0x97: {  	s0 =	stileid.u32;
	[bflag:$0x2] =	sbarrier.arrive $0xFFFF  }
0x98: {  	p0 =	sne.s32 s0, $0x0;
	s0 =	rddreg [dreg:$0x4]  }
0x99: {  	s0 =	sadd.s32 @!p0 $0x100000, s0  }
0x9a: {  	[sflag:s0] =	ssyncadd.tile.s32 @!p0 $0x1;
	_ =	shalt  }
.Lfunc_end2:
_tile_overlayer_lowered:
.L_overlay_start_2:
0x9b: {  	(tag) =	ssettag $0x2  }
0x9c: {  	s0 =	rddreg [dreg:$0x0];
	s2 =	stileid.u32  }
0x9d: {  	s1 =	rddreg [dreg:$0x1];
	p0 =	sne.s32 s2, $0x0  }
0x9e: {  	s3 =	rddreg [dreg:$0x2];
	[bflag:$0x3] =	sbarrier.arrive $0xFFFF;
	s2 =	simm.s32 @!p0 $0x1C03  }
0x9f: {  	[timem:s3], [sflag:s2] =	dma.local @!p0 [hbm:s0], s1  }
0xa0: {  	s0 =	simm.s32 @!p0 $0x3  }
0xa1: {  	_ =	swait.ge @!p0 [sflag:s0], s1  }
0xa2: {  	s1 =	ssub.s32 @!p0 $0x0, s1;
	[sflag:s0] =	ssyncset.done @!p0 $0x0  }
0xa3: {  	[sflag:s0] =	ssyncadd.s32 @!p0 s1  }
0xa4: {  	[bflag:$0x3] =	sbarrier.arrive $0xFFFF  }
0xa5: {  	_ =	shalt  }

// kernel: kernel.7.cloned.1.call-start
scs
__scs_entry_jumppad:
0x0: {  	(pc) =	sbr.rel $0x88, $3  }
0x1: {  	(tag) =	ssettag $0x0;
	lr =	simm.s32 $0x1  }
0x2: {  	[smem:$0x3F9A] =	sst lr;
	_ =	strace $0xD0000000  }
0x3: {  	_ = 	snop  }
0x4: {  	_ = 	snop  }
0x5: {  	_ = 	snop  }
0x6: {  	_ = 	snop  }
0x7: {  	_ = 	snop  }
__scs_overlays_trampoline_lowered:
0x8: {  	[smem:$0x3FA9] =	sst s0  }
0x9: {  	[smem:$0x3FAA] =	sst s1  }
0xa: {  	[smem:$0x3FAB] =	sst s2  }
0xb: {  	[smem:$0x3FAC] =	sst s3  }
0xc: {  	[smem:$0x3FAD] =	sst s4  }
0xd: {  	[smem:$0x3FAE] =	sst s5  }
0xe: {  	[smem:$0x3FAF] =	sst s6  }
0xf: {  	[smem:$0x3FB0] =	sst s7  }
0x10: {  	[smem:$0x3FB1] =	sst s8  }
0x11: {  	[smem:$0x3FB2] =	sst s9;
	s0 =	simm.s32 @!p0 $0x0  }
0x12: {  	s1 =	sld [smem:$0x3F98];
	s0 =	simm.s32 @p0 $0x1  }
0x13: {  	[smem:$0x3FB3] =	sst s0;
	s0 =	simm.s32 @!p1 $0x0  }
0x14: {  	s2 =	sld [smem:$0x3F97];
	s0 =	simm.s32 @p1 $0x1  }
0x15: {  	[smem:$0x3FB4] =	sst s0;
	s0 =	simm.s32 @!p2 $0x0  }
0x16: {  	s3 =	sld [smem:$0x3FDB];
	s0 =	simm.s32 @p2 $0x1  }
0x17: {  	s4 =	simm.s32 $0x1BF5;
	[smem:$0x3FB6] =	sst s0  }
0x18: {  	s0 =	sld [smem:$0x3F99];
	_ =	swait.ge [sflag:s4], $0x0  }
0x19: {  	s7 =	sld [smem:$0x3F9A]  }
0x1a: {  	s8 =	sadd.s32 $0xFFFFE003, lr  }
0x1b: {  	s9 =	sadd.s32 $0xFFFFFEF7, lr;
	s5 =	simm.s32 $0xFFFFFFFF;
	p2 =	slt.u32 s8, $0xFFFFF086  }
0x1c: {  	p1 =	slt.u32 s9, $0xF7A;
	s5 =	simm.s32 @!p2 $0x0  }
0x1d: {  	s5 =	simm.s32 @p1 $0x1;
	p0 =	seq.s32 s7, s2  }
0x1e: {  	s7 =	smul.u32 @!p0 $0xF7A, s2;
	p2 =	seq.s32 @!p0 s5, $0x0  }
0x1f: {  	s9 =	smul.u32 $0xF7A, s1;
	s8 =	simm.s32 @!p0 $0x1BF5;
	p2 =	por !p2, p0  }
0x20: {  	[sflag:s8] =	ssyncset.s32 @!p0 $0xFFFFF086;
	s6 =	sadd.s32 @!p0 s3, s7;
	s7 =	simm.s32 @!p0 $0x108  }
0x21: {  	s3 =	sadd.s32 s3, s9;
	s6 =	sadd.s32 @!p0 $0x88, s6;
	s7 =	simm.s32 @p2 $0x1082  }
0x22: {  	[simem:s7], [sflag:s8] =	dma.local @!p0 [hbm:s6], $0xF7A  }
0x23: {  	s9 =	sor.u32 $0xD0000000, s2;
	s6 =	simm.s32 $0x108;
	_ =	swait.ge @!p0 [sflag:s8], $0x0  }
0x24: {  	s3 =	sadd.s32 $0x88, s3;
	s6 =	simm.s32 @!p1 $0x1082;
	[sflag:s4] =	ssyncset.s32 $0xFFFFF086  }
0x25: {  	[simem:s6], [sflag:s4] =	dma.local [hbm:s3], $0xF7A  }
0x26: {  	[smem:$0x3F9A] =	sst s1;
	(tag) =	ssettag s2;
	_ =	strace s9  }
0x27: {  	s1 =	sld [smem:$0x3FAA]  }
0x28: {  	s2 =	sld [smem:$0x3FAB]  }
0x29: {  	s4 =	sld [smem:$0x3FAD]  }
0x2a: {  	p0 =	seq.s32 s5, $0x0;
	s5 =	sld [smem:$0x3FAE]  }
0x2b: {  	s6 =	sld [smem:$0x3FAF]  }
0x2c: {  	s7 =	sld [smem:$0x3FB0]  }
0x2d: {  	s3 =	simm.s32 $0x108;
	s8 =	sld [smem:$0x3FB1]  }
0x2e: {  	s3 =	simm.s32 @!p0 $0x1082;
	s9 =	sld [smem:$0x3FB2]  }
0x2f: {  	lr =	sadd.s32 s0, s3;
	s0 =	sld [smem:$0x3FA9]  }
0x30: {  	s3 =	sld [smem:$0x3FAC]  }
0x31: {  	[smem:$0x3FB5] =	sst s10  }
0x32: {  	s10 =	sld [smem:$0x3FB3];
	_ =	sdelay $0x3  }
0x33: {  	p0 =	seq.s32 s10, $0x1;
	s10 =	sld [smem:$0x3FB5];
	_ =	sdelay $0x3  }
0x34: {  	[smem:$0x3FB5] =	sst s10  }
0x35: {  	s10 =	sld [smem:$0x3FB4];
	_ =	sdelay $0x3  }
0x36: {  	p1 =	seq.s32 s10, $0x1;
	s10 =	sld [smem:$0x3FB5];
	_ =	sdelay $0x3  }
0x37: {  	[smem:$0x3FB5] =	sst s10  }
0x38: {  	s10 =	sld [smem:$0x3FB6]  }
0x39: {  	_ = 	snop;
	(pc) =	sbr.ind lr, $3  }
0x3a: {  	_ = 	snop  }
0x3b: {  	_ = 	snop  }
0x3c: {  	p2 =	seq.s32 s10, $0x1;
	s10 =	sld [smem:$0x3FB5]  }
0x3d: {  	_ =	shalt  }
0x3e: {  	_ =	shalt  }
0x3f: {  	_ =	shalt  }
0x40: {  	_ =	shalt  }
0x41: {  	_ =	shalt  }
0x42: {  	_ =	shalt  }
0x43: {  	_ =	shalt  }
0x44: {  	_ =	shalt  }
0x45: {  	_ =	shalt  }
0x46: {  	_ =	shalt  }
0x47: {  	_ =	shalt  }
0x48: {  	_ =	shalt  }
0x49: {  	_ =	shalt  }
0x4a: {  	_ =	shalt  }
0x4b: {  	_ =	shalt  }
0x4c: {  	_ =	shalt  }
0x4d: {  	_ =	shalt  }
0x4e: {  	_ =	shalt  }
0x4f: {  	_ =	shalt  }
0x50: {  	_ =	shalt  }
0x51: {  	_ =	shalt  }
0x52: {  	_ =	shalt  }
0x53: {  	_ =	shalt  }
0x54: {  	_ =	shalt  }
0x55: {  	_ =	shalt  }
0x56: {  	_ =	shalt  }
0x57: {  	_ =	shalt  }
0x58: {  	_ =	shalt  }
0x59: {  	_ =	shalt  }
0x5a: {  	_ =	shalt  }
0x5b: {  	_ =	shalt  }
0x5c: {  	_ =	shalt  }
0x5d: {  	_ =	shalt  }
0x5e: {  	_ =	shalt  }
0x5f: {  	_ =	shalt  }
0x60: {  	_ =	shalt  }
0x61: {  	_ =	shalt  }
0x62: {  	_ =	shalt  }
0x63: {  	_ =	shalt  }
0x64: {  	_ =	shalt  }
0x65: {  	_ =	shalt  }
0x66: {  	_ =	shalt  }
0x67: {  	_ =	shalt  }
0x68: {  	_ =	shalt  }
0x69: {  	_ =	shalt  }
0x6a: {  	_ =	shalt  }
0x6b: {  	_ =	shalt  }
0x6c: {  	_ =	shalt  }
0x6d: {  	_ =	shalt  }
0x6e: {  	_ =	shalt  }
0x6f: {  	_ =	shalt  }
0x70: {  	_ =	shalt  }
0x71: {  	_ =	shalt  }
0x72: {  	_ =	shalt  }
0x73: {  	_ =	shalt  }
0x74: {  	_ =	shalt  }
0x75: {  	_ =	shalt  }
0x76: {  	_ =	shalt  }
0x77: {  	_ =	shalt  }
0x78: {  	_ =	shalt  }
0x79: {  	_ =	shalt  }
0x7a: {  	_ =	shalt  }
0x7b: {  	_ =	shalt  }
0x7c: {  	_ =	shalt  }
0x7d: {  	_ =	shalt  }
0x7e: {  	_ =	shalt  }
0x7f: {  	_ =	shalt  }
0x80: {  	_ =	shalt  }
0x81: {  	_ =	shalt  }
0x82: {  	_ =	shalt  }
0x83: {  	_ =	shalt  }
0x84: {  	_ =	shalt  }
0x85: {  	_ =	shalt  }
0x86: {  	_ =	shalt  }
0x87: {  	_ =	shalt  }
.Lfunc_end0:
.L_simem_size_0:
called_computation_lowered:
.L_overlay_start_0:
0x88: {  	s2 =	sld [smem:$0x3FD9]  }
0x89: {  	s3 =	sld [smem:$0x3FFE];
	_ =	sdelay $0x1  }
0x8a: {  	s1 =	srdreg.scid  }
0x8b: {  	s0 =	sand.u32 $0x1, s1  }
0x8c: {  	s17 =	sshll.u32 s0, $0xA;
	s2 =	sadd.s32 s3, s2  }
0x8d: {  	s2 =	sadd.s32 s2, s17  }
0x8e: {  	[smem:$0x3FC1] =	sst s2  }
0x8f: {  	_ = 	snop  }
0x90: {  	s2 =	sld [smem:$0x3FD0];
	(tm) =	ssettm $0x1  }
0x91: {  	s18 =	sld [smem:$0x3FFB];
	_ =	sdelay $0x3  }
0x92: {  	_ =	strace s18  }
0x93: {  	s3 =	sld [smem:$0x3FFC];
	_ =	sdelay $0x3  }
0x94: {  	_ =	strace s3  }
0x95: {  	s3 =	sld [smem:$0x3FFD];
	_ =	sdelay $0x3  }
0x96: {  	_ =	strace s3  }
0x97: {  	_ =	strace $0x8FFFFFFF  }
0x98: {  	s19 =	sld [smem:$0x3FDB];
	_ =	sdelay $0x1  }
0x99: {  	s4 =	simm.s32 $_scs_section_size  }
0x9a: {  	s5 =	simm.s32 $_size__tile_overlayer_lowered;
	s6 =	simm.s32 $_tile_overlayer_lowered  }
0x9b: {  	s22 =	simm.s32 $0x1BFF;
	s21 =	sshll.u32 s6, $0x1;
	s3 =	sadd.s32 s4, s19  }
0x9c: {  	s7 =	simm.s32 $0x0;
	s20 =	sshll.u32 s5, $0x1;
	s5 =	sadd.s32 s21, s3  }
0x9d: {  	[timem:s7], [sflag:s22] =	dma.local [hbm:s5], s20  }
0x9e: {  	_ =	swait.ge [sflag:s22], s20  }
0x9f: {  	s4 =	ssub.s32 $0x0, s20;
	[sflag:s22] =	ssyncset.done $0x0  }
0xa0: {  	[sflag:s22] =	ssyncadd.s32 s4;
	_ =	sdelay $0x1  }
0xa1: {  	s23 =	simm.s32 $0x1B8B  }
0xa2: {  	_ =	swait.ge [sflag:s23], $0x1  }
0xa3: {  	[sflag:s23] =	ssyncset.done $0x0  }
0xa4: {  	s25 =	simm.s32 $0x1B8E;
	s24 =	sld [smem:$0x3FFE];
	[sflag:s23] =	ssyncadd.s32 $0xFFFFFFFF  }
0xa5: {  	s26 =	simm.s32 $execute0_lowered;
	[smem:$0x3FD2] =	sst s25  }
0xa6: {  	s5 =	sshll.u32 s26, $0x1;
	_ =	strace $0x80000046;
	[dreg:$0x1] =	wrdreg $0xFFFFFFFF  }
0xa7: {  	s28 =	simm.s32 $_size_execute0_lowered;
	s3 =	sadd.s32 s3, s5;
	[dreg:$0x0] =	wrdreg $0x0  }
0xa8: {  	s5 =	sshll.u32 s28, $0x1;
	[dreg:$0x2] =	wrdreg s3  }
0xa9: {  	[dreg:$0x3] =	wrdreg s5  }
0xaa: {  	[dreg:$0x4] =	wrdreg $0xC0  }
0xab: {  	_ =	task [dreg:s7], $0x5FFFF  }
0xac: {  	[dreg:$0x1] =	wrdreg $0xFFFFFFFF  }
0xad: {  	[dreg:$0x0] =	wrdreg $0x60  }
0xae: {  	[dreg:$0x2] =	wrdreg s24  }
0xaf: {  	[dreg:$0x3] =	wrdreg s2  }
0xb0: {  	[dreg:$0x4] =	wrdreg $0x67000  }
0xb1: {  	[dreg:$0x5] =	wrdreg $0x9  }
0xb2: {  	_ =	task.clear_ibuf [dreg:s7], $0x6FFFF;
	_ =	strace $0x90000046  }
0xb3: {  	s29 =	simm.s32 $0x9;
	_ =	strace $0x80000048  }
0xb4: {  	_ =	swait.ge [sflag:s29], $0x1  }
0xb5: {  	[sflag:s29] =	ssyncadd.s32 $0xFFFFFFFF  }
0xb6: {  	_ =	strace $0x90000048  }
0xb7: {  	_ =	sfence  }
0xb8: {  	s30 =	sld [smem:$0x0];
	_ =	sdelay $0x2  }
0xb9: {  	s31 =	sshll.u32 s1, $0xD;
	s1 =	sshrl.u32 s1, $0x2  }
0xba: {  	s3 =	sand.u32 $0x4000, s31;
	s1 =	sadd.s32 s1, s30  }
0xbb: {  	s0 =	sor.u32 s3, s0;
	s1 =	sshll.u32 s1, $0x11  }
0xbc: {  	s0 =	sor.u32 s1, s0  }
0xbd: {  	s0 =	sadd.s32 $0x8F2B, s0  }
0xbe: {  	[sflag:s0] =	ssyncadd.remote.s32 $0x1  }
0xbf: {  	_ =	sfence.sel $0xFFFF  }
0xc0: {  	[dreg:$0x0] =	wrdreg $0xFFFFFFFF;
	(pc) =	sbr.abs _section_cstart, $3  }
0xc1: {  	[dreg:$0x1] =	wrdreg $0xFFFFFFFF  }
0xc2: {  	_ =	task.clear_ibuf [dreg:s7], $0x2FFFF;
	_ =	strace $0x9FFFFFFF  }
0xc3: {  	(tm) =	ssettm $0x7FFFFFFF  }
tec
execute0_lowered:
.L_overlay_start_1:
0x0: {  	(tag) =	ssettag $0x1  }
0x1: {  	s6 =	rddreg [dreg:$0x0]  }
0x2: {  	s0 =	srdreg.scid;
	s2 =	rddreg [dreg:$0x1]  }
0x3: {  	s3 =	rddreg [dreg:$0x2];
	s4 =	simm.s32 $0x0;
	s14 =	simm.s32 $0x4F00  }
0x4: {  	s15 =	simm.s32 $0x80;
	s16 =	simm.s32 $0x2800;
	s17 =	simm.s32 $0x2880  }
0x5: {  	s18 =	simm.s32 $0x1;
	s5 =	sand.u32 $0x1, s0;
	s0 =	stileid.u32  }
0x6: {  	s19 =	simm.s32 $0x0;
	[smem:$0x7FF] =	sst s4;
	s8 =	smul.u32 $0x1390, s0  }
0x7: {  	s1 =	sshll.u32 s5, $0x4;
	s9 =	smul.u32 $0x13900, s5;
	s5 =	ssub.s32 $0x2, s5  }
0x8: {  	s31 =	sshll.u32 s0, $0x6;
	s1 =	sor.u32 s0, s1;
	s30 =	sshrl.u32 s5, $0x1  }
0x9: {  	s7 =	smul.u32 $0x2780, s1;
	s1 =	rddreg [dreg:$0x3];
	_ =	strace $0x80000047  }
0xa: {  	s28 =	sadd.s32 s8, s9;
	s29 =	sshrl.u32 s8, $0x3;
	s12 =	ssub.s32 s5, s30  }
0xb: {  	s13 =	sadd.s32 s8, s3;
	s9 =	sadd.s32 s29, s6;
	s7 =	sshrl.u32 s7, $0x3  }
0xc: {  	s5 =	sadd.s32 $0x16200, s9;
	s10 =	sadd.s32 s7, s6;
	s7 =	sshrl.u32 s28, $0x3  }
0xd: {  	s11 =	sadd.s32 s7, s6;
	s6 =	sor.u32 $0x1C02, s31;
	s7 =	sadd.s32 $0x2600, s10  }
0xe: {  	s8 =	sadd.s32 $0xC400, s10;
	s10 =	smax.u32 s12, $0x1;
	s12 =	simm.s32 $0x2  }
0xf: {  	s9 =	sadd.s32 $0x18A00, s11;
	s11 =	sshrl.u32 s13, $0x3;
	s13 =	simm.s32 $0x2780  }
.LBB2_1:
0x10: {  	[spmem:s11], [sflag:s6] =	dma.local [hbm:s5], $0x272  }
0x11: {  	_ =	swait.ge [sflag:s12], $0x272  }
0x12: {  	[sflag:s12] =	ssyncset.done $0x0  }
0x13: {  	[sflag:s12] =	ssyncadd.s32 $0xFFFFFD8E  }
0x14: {  	[tilespmem:s4], [sflag:$0x2] =	stream.linear.gather [hbm4b:s7+s4], $0x2780, $0x38;
	[tilespmem:$0x7A90] =	vst v63  }
0x15: {  	_ =	swait.ge [sflag:s12], $0x2780  }
0x16: {  	[sflag:s12] =	ssyncset.done $0x0  }
0x17: {  	[sflag:s12] =	ssyncadd.s32 $0xFFFFD880  }
0x18: {  	[tilespmem:s13], [sflag:$0x2] =	stream.linear.gather [hbm4b:s8+s4], $0x2780, $0x38;
	[tilespmem:$0x7A90] =	vst v63  }
0x19: {  	_ =	swait.ge [sflag:s12], $0x2780  }
0x1a: {  	[sflag:s12] =	ssyncset.done $0x0  }
0x1b: {  	[sflag:s12] =	ssyncadd.s32 $0xFFFFD880  }
0x1c: {  	[tilespmem:s14], [sflag:$0x2] =	stream.linear.gather [hbm4b:s2+s4], $0x400, $0x38;
	[tilespmem:$0x7A90] =	vst v63  }
0x1d: {  	_ =	swait.ge [sflag:s12], $0x400  }
0x1e: {  	[sflag:s12] =	ssyncset.done $0x0  }
0x1f: {  	[sflag:s12] =	ssyncadd.s32 $0xFFFFFC00  }
0x20: {  	[bflag:$0x0] =	sbarrier.arrive $0xFFFF  }
0x21: {  	[spmem:s3] =	stream.indirect.scatter.add.f32 [tilespmem:s14], [sflag:$0x1], $0x8, s13, s15, $0xb8;
	[tilespmem:$0x7A90] =	vst v63  }
0x22: {  	_ = 	snop  }
0x23: {  	[spmem:s3] =	stream.indirect.scatter.add.f32 [tilespmem:s14], [sflag:$0x1], $0x8, s16, s15, $0xb8;
	[tilespmem:$0x7A90] =	vst v63  }
0x24: {  	_ = 	snop  }
0x25: {  	[spmem:s3] =	stream.indirect.scatter.add.f32 [tilespmem:s14], [sflag:$0x1], $0x8, s17, s15, $0xb8;
	[tilespmem:$0x7A90] =	vst v63  }
0x26: {  	s20 =	simm.s32 $0x2900  }
0x27: {  	[spmem:s3] =	stream.indirect.scatter.add.f32 [tilespmem:s14], [sflag:$0x1], $0x8, s20, s15, $0xb8;
	[tilespmem:$0x7A90] =	vst v63  }
0x28: {  	s20 =	simm.s32 $0x800;
	_ =	swait.ge [sflag:s18], $0x400  }
.LBB2_2:
0x29: {  	s21 =	sshra.s32 s20, $0x2;
	[sflag:s18] =	ssyncset.done $0x0;
	p0 =	sne.s32 s20, $0x9C00  }
.Ltmp0:
0x2a: {  	s21 =	sadd.s32 $0x2780, s21;
	[sflag:s18] =	ssyncadd.s32 $0xFFFFFC00;
	(pc) =	sbr.rel @p0 .LBB2_2-.Ltmp0, $3  }
0x2b: {  	[spmem:s3] =	stream.indirect.scatter.add.f32 [tilespmem:s14], [sflag:$0x1], $0x8, s21, s15, $0xb8;
	[tilespmem:$0x7A90] =	vst v63  }
0x2c: {  	s20 =	sadd.s32 $0x200, s20;
	_ =	sdelay $0x1  }
0x2d: {  	_ =	swait.ge [sflag:s18], $0x400  }
0x2e: {  	[sflag:s18] =	ssyncset.done $0x0  }
0x2f: {  	[sflag:s18] =	ssyncadd.s32 $0xFFFFFC00  }
0x30: {  	_ =	swait.ge [sflag:s18], $0x400  }
0x31: {  	[sflag:s18] =	ssyncset.done $0x0  }
0x32: {  	[sflag:s18] =	ssyncadd.s32 $0xFFFFFC00  }
0x33: {  	_ =	swait.ge [sflag:s18], $0x400  }
0x34: {  	[sflag:s18] =	ssyncset.done $0x0  }
0x35: {  	[sflag:s18] =	ssyncadd.s32 $0xFFFFFC00  }
0x36: {  	_ =	swait.ge [sflag:s18], $0x400  }
0x37: {  	s19 =	sadd.s32 $0x1, s19;
	[sflag:s18] =	ssyncset.done $0x0  }
0x38: {  	p0 =	sne.s32 s19, s10;
	[sflag:s18] =	ssyncadd.s32 $0xFFFFFC00  }
.Ltmp1:
0x39: {  	[bflag:$0x0] =	sbarrier.arrive $0xFFFF;
	(pc) =	sbr.rel @p0 .LBB2_1-.Ltmp1, $4  }
0x3a: {  	[hbm:s9], [sflag:s6] =	dma.local [spmem:s11], $0x272  }
0x3b: {  	_ =	swait.ge [sflag:s12], $0x272  }
0x3c: {  	[sflag:s12] =	ssyncset.done $0x0  }
0x3d: {  	[sflag:s12] =	ssyncadd.s32 $0xFFFFFD8E  }
0x3e: {  	_ =	sfence.sel $0x180000  }
0x3f: {  	[bflag:$0x0] =	sbarrier.arrive $0xFFFF  }
0x40: {  	p0 =	sne.s32 s0, $0x0;
	_ =	strace $0x90000047  }
0x41: {  	s0 =	sadd.s32 @!p0 $0x100000, s1;
	[bflag:$0x2] =	sbarrier.arrive $0xFFFF  }
0x42: {  	[sflag:s0] =	ssyncadd.tile.s32 @!p0 $0x1;
	_ =	shalt  }
.Lfunc_end2:
_tile_overlayer_lowered:
.L_overlay_start_2:
0x43: {  	(tag) =	ssettag $0x2  }
0x44: {  	s0 =	rddreg [dreg:$0x0];
	s2 =	stileid.u32  }
0x45: {  	s1 =	rddreg [dreg:$0x1];
	p0 =	sne.s32 s2, $0x0  }
0x46: {  	s3 =	rddreg [dreg:$0x2];
	[bflag:$0x3] =	sbarrier.arrive $0xFFFF;
	s2 =	simm.s32 @!p0 $0x1C02  }
0x47: {  	[timem:s3], [sflag:s2] =	dma.local @!p0 [hbm:s0], s1  }
0x48: {  	s0 =	simm.s32 @!p0 $0x2  }
0x49: {  	_ =	swait.ge @!p0 [sflag:s0], s1  }
0x4a: {  	s1 =	ssub.s32 @!p0 $0x0, s1;
	[sflag:s0] =	ssyncset.done @!p0 $0x0  }
0x4b: {  	[sflag:s0] =	ssyncadd.s32 @!p0 s1  }
0x4c: {  	[bflag:$0x3] =	sbarrier.arrive $0xFFFF  }
0x4d: {  	_ =	shalt  }

</sc_bundles>
